<compile_context>
chip_gen: v7x
topology: tpu7x:2x2x1
jax: 0.10.2.dev20260603
libtpu: 0.0.44.dev20260713+nightly
codegen_flags: <defaults>
</compile_context>

<pallas_src>
import jax
import jax.numpy as jnp
from jax import lax
from jax.experimental import pallas as pl
from jax.experimental.pallas import tpu as pltpu
from jax.experimental.pallas import tpu_sc as plsc

NA = 6_400_000
NM = 100_000
NMP = 100_352
NC = 2
NS = 16
APW = NA // (NC * NS)
PIECE = 4_000
NPIECE = APW // PIECE
NSTR = 24
NTEC = NPIECE - NSTR
NROUND = max(NSTR, NTEC)
ZCH = NMP // NS
CCH = NMP // 32
WCH = 4
NV = PIECE // 16


def _partials_kernel(idx_hbm, val_hbm, part_hbm,
                     tidx0, tval0, tidx1, tval1,
                     sidx0, sval0, sidx1, sval1, sidx2, sval2, sidx3, sval3,
                     iotabuf, t16, acc_v, acc,
                     tl0, tl1, sl0, sl1, sl2, sl3, sc0, sc1, sc2, sc3):
    c = lax.axis_index("c")
    s = lax.axis_index("s")
    wid = c * NS + s
    tbufs = ((tidx0, tval0, tl0), (tidx1, tval1, tl1))
    sbufs = ((sidx0, sval0, sl0, sc0), (sidx1, sval1, sl1, sc1),
             (sidx2, sval2, sl2, sc2), (sidx3, sval3, sl3, sc3))

    def start_load(i, idxb, valb, sem):
        base = wid * APW + i * PIECE
        pltpu.async_copy(idx_hbm.at[pl.ds(base, PIECE)], idxb, sem)
        pltpu.async_copy(val_hbm.at[pl.ds(base, PIECE)], valb, sem)

    def wait_load(idxb, valb, sem):
        pltpu.make_async_copy(idx_hbm.at[pl.ds(0, PIECE)], idxb, sem).wait()
        pltpu.make_async_copy(val_hbm.at[pl.ds(0, PIECE)], valb, sem).wait()

    def zero_body(j, _):
        acc_v[pl.ds(16 * j, 16)] = jnp.zeros((16,), jnp.float32)
        return _

    lax.fori_loop(0, WCH * CCH // 16, zero_body, None)
    pltpu.sync_copy(acc_v.at[pl.ds(0, ZCH)], acc.at[pl.ds(s * ZCH, ZCH)])
    plsc.subcore_barrier()

    start_load(0, sidx0, sval0, sl0)
    start_load(1, sidx1, sval1, sl1)
    start_load(NSTR + 0, tidx0, tval0, tl0)
    start_load(NSTR + 1, tidx1, tval1, tl1)

    pltpu.sync_copy(idx_hbm.at[pl.ds(wid * APW, 16)], t16)
    m_first = t16[...][0]
    pltpu.sync_copy(idx_hbm.at[pl.ds(wid * APW + APW - 16, 16)], t16)
    m_last = t16[...][15]
    k_lo = m_first // CCH
    k_hi = m_last // CCH
    fits = (k_hi - k_lo) < WCH
    win_base = k_lo * CCH

    iota16 = lax.iota(jnp.int32, 16)
    prev_sel = jnp.maximum(iota16 - 1, 0)
    next_clamp = jnp.minimum(iota16 + (PIECE - 16) + 1, PIECE - 1)
    lane0 = iota16 == 0
    lane15 = iota16 == 15

    def vreg_step(iv, vv, iv_prev, iv_next):
        c0 = plsc.cumsum(vv)
        cx = c0 - vv
        last = (iv != iv_next) | lane15
        restart = (iv != iv_prev) | lane0
        ivl = iv - win_base
        plsc.addupdate_scatter(acc_v, [ivl], c0, mask=last)
        plsc.addupdate_scatter(acc_v, [ivl], -cx, mask=restart)

    def compute_piece(idxb, valb):
        iv = idxb[pl.ds(0, 16)]
        vreg_step(iv, valb[pl.ds(0, 16)],
                  plsc.load_gather(idxb, [prev_sel]), idxb[pl.ds(1, 16)])

        def vb(j, _):
            for u in range(4):
                b = 64 * j + 16 * u + 16
                vreg_step(idxb[pl.ds(b, 16)], valb[pl.ds(b, 16)],
                          idxb[pl.ds(b - 1, 16)], idxb[pl.ds(b + 1, 16)])
            return _

        lax.fori_loop(0, (NV - 2) // 4, vb, None)

        b = PIECE - 16
        vreg_step(idxb[pl.ds(b, 16)], valb[pl.ds(b, 16)],
                  idxb[pl.ds(b - 1, 16)],
                  plsc.load_gather(idxb, [next_clamp]))

    def round_step(k, _):
        for t in range(2):
            idxb, valb, sem = tbufs[t]

            @pl.when((k < NTEC) & (k % 2 == t))
            def _():
                wait_load(idxb, valb, sem)

                @pl.when(fits)
                def _():
                    compute_piece(idxb, valb)

                @pl.when(jnp.logical_not(fits))
                def _():
                    pltpu.sync_copy(valb, acc.at[idxb], add=True)

                @pl.when(k + 2 < NTEC)
                def _():
                    start_load(NSTR + k + 2, idxb, valb, sem)

        for t in range(4):
            idxb, valb, lsem, csem = sbufs[t]

            @pl.when((k < NSTR) & (k % 4 == t))
            def _():
                wait_load(idxb, valb, lsem)
                pltpu.async_copy(valb, acc.at[idxb], csem, add=True)

            @pl.when((k + 2 < NSTR) & ((k + 2) % 4 == t))
            def _():
                @pl.when(k >= 2)
                def _():
                    pltpu.make_async_copy(valb, acc.at[idxb], csem).wait()

                start_load(k + 2, idxb, valb, lsem)

        return _

    lax.fori_loop(0, NROUND, round_step, None)

    for j in range(NSTR - 4, NSTR):
        idxb, valb, _, csem = sbufs[j % 4]
        pltpu.make_async_copy(valb, acc.at[idxb], csem).wait()

    plsc.subcore_barrier()

    for r in range(WCH):
        @pl.when(fits & (k_lo + r <= k_hi))
        def _():
            def ib(i, _):
                iotabuf[pl.ds(16 * i, 16)] = (iota16 + win_base
                                              + (r * CCH + 16 * i))
                return _

            lax.fori_loop(0, CCH // 16, ib, None)
            pltpu.sync_copy(acc_v.at[pl.ds(r * CCH, CCH)], acc.at[iotabuf],
                            add=True)

    plsc.subcore_barrier()

    pltpu.sync_copy(acc.at[pl.ds(s * ZCH, ZCH)],
                    part_hbm.at[pl.ds(c * NMP + s * ZCH, ZCH)])


def _combine_kernel(part_hbm, out_hbm, bufa, bufb):
    c = lax.axis_index("c")
    s = lax.axis_index("s")
    w = c * NS + s
    ch = NMP // (NC * NS)
    base = w * ch
    pltpu.sync_copy(part_hbm.at[pl.ds(base, ch)], bufa)
    pltpu.sync_copy(part_hbm.at[pl.ds(NMP + base, ch)], bufb)

    def add_body(j, _):
        sl = pl.ds(16 * j, 16)
        bufa[sl] = bufa[sl] + bufb[sl]
        return _

    lax.fori_loop(0, ch // 16, add_body, None)
    pltpu.sync_copy(bufa, out_hbm.at[pl.ds(base, ch)])


def kernel(indices, per_atom_property):
    mesh = plsc.VectorSubcoreMesh(core_axis_name="c", subcore_axis_name="s")

    partials = pl.kernel(
        _partials_kernel,
        out_type=jax.ShapeDtypeStruct((NC * NMP,), jnp.float32),
        mesh=mesh,
        compiler_params=pltpu.CompilerParams(needs_layout_passes=False),
        scratch_types=(
            [pltpu.VMEM((PIECE,), jnp.int32), pltpu.VMEM((PIECE,), jnp.float32)] * 6
            + [
                pltpu.VMEM((CCH,), jnp.int32),
                pltpu.VMEM((16,), jnp.int32),
                pltpu.VMEM((WCH * CCH,), jnp.float32),
                pltpu.VMEM_SHARED((NMP,), jnp.float32),
            ]
            + [pltpu.SemaphoreType.DMA] * 10
        ),
    )(indices, per_atom_property)

    out = pl.kernel(
        _combine_kernel,
        out_type=jax.ShapeDtypeStruct((NMP,), jnp.float32),
        mesh=mesh,
        scratch_types=[
            pltpu.VMEM((NMP // (NC * NS),), jnp.float32),
            pltpu.VMEM((NMP // (NC * NS),), jnp.float32),
        ],
    )(partials)

    return out[:NM]

# --- scband reference (transcript-rebuilt; emitter-appended) ---
"""Pipeline reference for scband-from-atom-to-molecule-reduction-58128087384366 (READ-ONLY COPY).

The authoritative reference and input builder live on the scoring server;
editing this copy changes nothing except your own understanding.
"""

import jax, jax.numpy as jnp
import numpy as np

N_ATOMS = 6400000
N_MOLECULES = 100000


def setup_inputs(seed: int = 0) -> dict:
    key = jax.random.key(seed)
    k1, k2 = jax.random.split(key)
    indices = jnp.sort(jax.random.randint(k1, (N_ATOMS,), 0, N_MOLECULES, dtype=jnp.int32))
    per_atom_property = jax.random.normal(k2, (N_ATOMS,), dtype=jnp.float32)
    return {"indices": indices, "per_atom_property": per_atom_property}


def reference(indices, per_atom_property):
    # nr_of_molecules = torch.unique(indices).size(0)
    nr_of_molecules = N_MOLECULES
    # per_system_property.scatter_reduce(0, indices, per_atom_property, reduce='sum')
    per_system_property = jax.ops.segment_sum(
        per_atom_property, indices.astype(jnp.int32), num_segments=nr_of_molecules
    )
    return per_system_property

if __name__ == "__main__":
    import jax
    _d = setup_inputs()
    print(jax.jit(kernel)(*tuple(_d.values())))

</pallas_src>

<mosaic_0001>
#map = affine_map<(d0, d1) -> (0)>
module attributes {stable_mosaic.version = 14 : i64} {
  func.func @_combine_kernel(%arg0: i32, %arg1: i32, %arg2: memref<200704xf32, #tpu.memory_space<hbm>>, %arg3: memref<100352xf32, #tpu.memory_space<hbm>>, %arg4: memref<3136xf32, #tpu.memory_space<vmem>>, %arg5: memref<3136xf32, #tpu.memory_space<vmem>>) attributes {dimension_semantics = [#tpu.dimension_semantics<core_parallel>, #tpu.dimension_semantics<subcore_parallel>], iteration_bounds = array<i64: 2, 16>, scalar_prefetch = 0 : i64, scratch_operands = 2 : i64, tpu.core_type = #tpu.core_type<sc_vector_subcore>, window_params = [{transform_indices = #map}, {transform_indices = #map}]} {
    %mul3A = arith.constant 16 : i32
    %mul3A_0 = arith.muli %arg0, %mul3A : i32
    %add3A = arith.addi %mul3A_0, %arg1 : i32
    %mul3A_1 = arith.constant 3136 : i32
    %mul3A_2 = arith.muli %add3A, %mul3A_1 : i32
    "tpu.region"() ({
      %run_scoped3A = tpu.sem_alloc : memref<!tpu.dma_semaphore, #tpu.memory_space<semaphore_mem>>
      %dma_start3A = tpu.memref_slice %arg2[%mul3A_2] : memref<200704xf32, #tpu.memory_space<hbm>> -> memref<3136xf32, #tpu.memory_space<hbm>>
      %dma_start3A_9 = tpu.memref_slice %arg2[%mul3A_2] : memref<200704xf32, #tpu.memory_space<hbm>> -> memref<3136xf32, #tpu.memory_space<hbm>>
      tpu.enqueue_dma source(%dma_start3A_9 : memref<3136xf32, #tpu.memory_space<hbm>>) target(%arg4 : memref<3136xf32, #tpu.memory_space<vmem>>) target_semaphore(%run_scoped3A : memref<!tpu.dma_semaphore, #tpu.memory_space<semaphore_mem>>)
      %dma_wait3A = tpu.memref_slice %arg2[%mul3A_2] : memref<200704xf32, #tpu.memory_space<hbm>> -> memref<3136xf32, #tpu.memory_space<hbm>>
      %dma_wait3A_10 = tpu.memref_slice %arg2[%mul3A_2] : memref<200704xf32, #tpu.memory_space<hbm>> -> memref<3136xf32, #tpu.memory_space<hbm>>
      tpu.wait_dma2 semaphore(%run_scoped3A : memref<!tpu.dma_semaphore, #tpu.memory_space<semaphore_mem>>) src(%dma_wait3A_10 : memref<3136xf32, #tpu.memory_space<hbm>>) dst(%arg4 : memref<3136xf32, #tpu.memory_space<vmem>>)
      tpu.yield
    }) : () -> ()
    %add3A_3 = arith.constant 100352 : i32
    %add3A_4 = arith.addi %add3A_3, %mul3A_2 : i32
    "tpu.region"() ({
      %run_scoped3A = tpu.sem_alloc : memref<!tpu.dma_semaphore, #tpu.memory_space<semaphore_mem>>
      %dma_start3A = tpu.memref_slice %arg2[%add3A_4] : memref<200704xf32, #tpu.memory_space<hbm>> -> memref<3136xf32, #tpu.memory_space<hbm>>
      %dma_start3A_9 = tpu.memref_slice %arg2[%add3A_4] : memref<200704xf32, #tpu.memory_space<hbm>> -> memref<3136xf32, #tpu.memory_space<hbm>>
      tpu.enqueue_dma source(%dma_start3A_9 : memref<3136xf32, #tpu.memory_space<hbm>>) target(%arg5 : memref<3136xf32, #tpu.memory_space<vmem>>) target_semaphore(%run_scoped3A : memref<!tpu.dma_semaphore, #tpu.memory_space<semaphore_mem>>)
      %dma_wait3A = tpu.memref_slice %arg2[%add3A_4] : memref<200704xf32, #tpu.memory_space<hbm>> -> memref<3136xf32, #tpu.memory_space<hbm>>
      %dma_wait3A_10 = tpu.memref_slice %arg2[%add3A_4] : memref<200704xf32, #tpu.memory_space<hbm>> -> memref<3136xf32, #tpu.memory_space<hbm>>
      tpu.wait_dma2 semaphore(%run_scoped3A : memref<!tpu.dma_semaphore, #tpu.memory_space<semaphore_mem>>) src(%dma_wait3A_10 : memref<3136xf32, #tpu.memory_space<hbm>>) dst(%arg5 : memref<3136xf32, #tpu.memory_space<vmem>>)
      tpu.yield
    }) : () -> ()
    %scan3A = arith.constant 0 : i32
    %scan3A_5 = arith.constant 196 : i32
    %scan3A_6 = arith.addi %scan3A, %scan3A_5 : i32
    %scan3A_7 = arith.constant 1 : i32
    scf.for %scan3A_9 = %scan3A to %scan3A_6 step %scan3A_7  : i32 {
      %mul3A_10 = arith.constant 16 : i32
      %mul3A_11 = arith.muli %mul3A_10, %scan3A_9 : i32
      %get3A = arith.index_cast %mul3A_11 : i32 to index
      %get3A_12 = tpu.vector_load %arg4[%get3A] {strides = array<i32>} : memref<3136xf32, #tpu.memory_space<vmem>>, vector<16xf32>,
      %get3A_13 = vector.shape_cast %get3A_12 : vector<16xf32> to vector<16xf32>
      %get3A_14 = arith.index_cast %mul3A_11 : i32 to index
      %get3A_15 = tpu.vector_load %arg5[%get3A_14] {strides = array<i32>} : memref<3136xf32, #tpu.memory_space<vmem>>, vector<16xf32>,
      %get3A_16 = vector.shape_cast %get3A_15 : vector<16xf32> to vector<16xf32>
      %add3A_17 = arith.addf %get3A_13, %get3A_16 : vector<16xf32>
      %swap3A = arith.index_cast %mul3A_11 : i32 to index
      %swap3A_18 = tpu.vector_load %arg4[%swap3A] {strides = array<i32>} : memref<3136xf32, #tpu.memory_space<vmem>>, vector<16xf32>,
      %swap3A_19 = vector.shape_cast %swap3A_18 : vector<16xf32> to vector<16xf32>
      %swap3A_20 = vector.shape_cast %add3A_17 : vector<16xf32> to vector<16xf32>
      tpu.vector_store %arg4[%swap3A], %swap3A_20 {strides = array<i32>} : memref<3136xf32, #tpu.memory_space<vmem>>, vector<16xf32>,
    }
    %scan3A_8 = arith.constant 196 : i32
    "tpu.region"() ({
      %run_scoped3A = tpu.sem_alloc : memref<!tpu.dma_semaphore, #tpu.memory_space<semaphore_mem>>
      %dma_start3A = tpu.memref_slice %arg3[%mul3A_2] : memref<100352xf32, #tpu.memory_space<hbm>> -> memref<3136xf32, #tpu.memory_space<hbm>>
      %dma_start3A_9 = tpu.memref_slice %arg3[%mul3A_2] : memref<100352xf32, #tpu.memory_space<hbm>> -> memref<3136xf32, #tpu.memory_space<hbm>>
      tpu.enqueue_dma source(%arg4 : memref<3136xf32, #tpu.memory_space<vmem>>) target(%dma_start3A_9 : memref<3136xf32, #tpu.memory_space<hbm>>) target_semaphore(%run_scoped3A : memref<!tpu.dma_semaphore, #tpu.memory_space<semaphore_mem>>)
      %dma_wait3A = tpu.memref_slice %arg3[%mul3A_2] : memref<100352xf32, #tpu.memory_space<hbm>> -> memref<3136xf32, #tpu.memory_space<hbm>>
      %dma_wait3A_10 = tpu.memref_slice %arg3[%mul3A_2] : memref<100352xf32, #tpu.memory_space<hbm>> -> memref<3136xf32, #tpu.memory_space<hbm>>
      tpu.wait_dma2 semaphore(%run_scoped3A : memref<!tpu.dma_semaphore, #tpu.memory_space<semaphore_mem>>) src(%arg4 : memref<3136xf32, #tpu.memory_space<vmem>>) dst(%dma_wait3A_10 : memref<3136xf32, #tpu.memory_space<hbm>>)
      tpu.yield
    }) : () -> ()
    return
  }
}

#map = affine_map<(d0, d1) -> (0)>
module attributes {stable_mosaic.version = 14 : i64} {
  func.func @_partials_kernel(%arg0: i32, %arg1: i32, %arg2: memref<6400000xi32, #tpu.memory_space<hbm>>, %arg3: memref<6400000xf32, #tpu.memory_space<hbm>>, %arg4: memref<200704xf32, #tpu.memory_space<hbm>>, %arg5: memref<4000xi32, #tpu.memory_space<vmem>>, %arg6: memref<4000xf32, #tpu.memory_space<vmem>>, %arg7: memref<4000xi32, #tpu.memory_space<vmem>>, %arg8: memref<4000xf32, #tpu.memory_space<vmem>>, %arg9: memref<4000xi32, #tpu.memory_space<vmem>>, %arg10: memref<4000xf32, #tpu.memory_space<vmem>>, %arg11: memref<4000xi32, #tpu.memory_space<vmem>>, %arg12: memref<4000xf32, #tpu.memory_space<vmem>>, %arg13: memref<4000xi32, #tpu.memory_space<vmem>>, %arg14: memref<4000xf32, #tpu.memory_space<vmem>>, %arg15: memref<4000xi32, #tpu.memory_space<vmem>>, %arg16: memref<4000xf32, #tpu.memory_space<vmem>>, %arg17: memref<3136xi32, #tpu.memory_space<vmem>>, %arg18: memref<16xi32, #tpu.memory_space<vmem>>, %arg19: memref<12544xf32, #tpu.memory_space<vmem>>, %arg20: memref<100352xf32, #tpu.memory_space<vmem_shared>>, %arg21: memref<!tpu.dma_semaphore, #tpu.memory_space<semaphore_mem>>, %arg22: memref<!tpu.dma_semaphore, #tpu.memory_space<semaphore_mem>>, %arg23: memref<!tpu.dma_semaphore, #tpu.memory_space<semaphore_mem>>, %arg24: memref<!tpu.dma_semaphore, #tpu.memory_space<semaphore_mem>>, %arg25: memref<!tpu.dma_semaphore, #tpu.memory_space<semaphore_mem>>, %arg26: memref<!tpu.dma_semaphore, #tpu.memory_space<semaphore_mem>>, %arg27: memref<!tpu.dma_semaphore, #tpu.memory_space<semaphore_mem>>, %arg28: memref<!tpu.dma_semaphore, #tpu.memory_space<semaphore_mem>>, %arg29: memref<!tpu.dma_semaphore, #tpu.memory_space<semaphore_mem>>, %arg30: memref<!tpu.dma_semaphore, #tpu.memory_space<semaphore_mem>>) attributes {dimension_semantics = [#tpu.dimension_semantics<core_parallel>, #tpu.dimension_semantics<subcore_parallel>], iteration_bounds = array<i64: 2, 16>, scalar_prefetch = 0 : i64, scratch_operands = 26 : i64, tpu.core_type = #tpu.core_type<sc_vector_subcore>, window_params = [{transform_indices = #map}, {transform_indices = #map}, {transform_indices = #map}]} {
    %mul3A = arith.constant 16 : i32
    %mul3A_0 = arith.muli %arg0, %mul3A : i32
    %add3A = arith.addi %mul3A_0, %arg1 : i32
    %scan3A = arith.constant 0 : i32
    %scan3A_1 = arith.constant 784 : i32
    %scan3A_2 = arith.addi %scan3A, %scan3A_1 : i32
    %scan3A_3 = arith.constant 1 : i32
    scf.for %scan3A_159 = %scan3A to %scan3A_2 step %scan3A_3  : i32 {
      %broadcast_in_dim3A = arith.constant 0.000000e+00 : f32
      %broadcast_in_dim3A_160 = vector.broadcast %broadcast_in_dim3A : f32 to vector<16xf32>
      %mul3A_161 = arith.constant 16 : i32
      %mul3A_162 = arith.muli %mul3A_161, %scan3A_159 : i32
      %swap3A = arith.index_cast %mul3A_162 : i32 to index
      %swap3A_163 = tpu.vector_load %arg19[%swap3A] {strides = array<i32>} : memref<12544xf32, #tpu.memory_space<vmem>>, vector<16xf32>,
      tpu.vector_store %arg19[%swap3A], %broadcast_in_dim3A_160 {strides = array<i32>} : memref<12544xf32, #tpu.memory_space<vmem>>, vector<16xf32>,
    }
    %scan3A_4 = arith.constant 784 : i32
    %mul3A_5 = arith.constant 6272 : i32
    %mul3A_6 = arith.muli %arg1, %mul3A_5 : i32
    "tpu.region"() ({
      %run_scoped3A = tpu.sem_alloc : memref<!tpu.dma_semaphore, #tpu.memory_space<semaphore_mem>>
      %dma_start3A_159 = arith.constant 0 : i32
      %dma_start3A_160 = tpu.memref_slice %arg19[%dma_start3A_159] : memref<12544xf32, #tpu.memory_space<vmem>> -> memref<6272xf32, #tpu.memory_space<vmem>>
      %dma_start3A_161 = tpu.memref_slice %arg20[%mul3A_6] : memref<100352xf32, #tpu.memory_space<vmem_shared>> -> memref<6272xf32, #tpu.memory_space<vmem_shared>>
      %dma_start3A_162 = tpu.memref_slice %arg20[%mul3A_6] : memref<100352xf32, #tpu.memory_space<vmem_shared>> -> memref<6272xf32, #tpu.memory_space<vmem_shared>>
      %dma_start3A_163 = arith.constant 0 : i32
      %dma_start3A_164 = tpu.memref_slice %arg19[%dma_start3A_163] : memref<12544xf32, #tpu.memory_space<vmem>> -> memref<6272xf32, #tpu.memory_space<vmem>>
      tpu.enqueue_dma source(%dma_start3A_164 : memref<6272xf32, #tpu.memory_space<vmem>>) target(%dma_start3A_162 : memref<6272xf32, #tpu.memory_space<vmem_shared>>) target_semaphore(%run_scoped3A : memref<!tpu.dma_semaphore, #tpu.memory_space<semaphore_mem>>)
      %dma_wait3A_165 = arith.constant 0 : i32
      %dma_wait3A_166 = tpu.memref_slice %arg19[%dma_wait3A_165] : memref<12544xf32, #tpu.memory_space<vmem>> -> memref<6272xf32, #tpu.memory_space<vmem>>
      %dma_wait3A_167 = tpu.memref_slice %arg20[%mul3A_6] : memref<100352xf32, #tpu.memory_space<vmem_shared>> -> memref<6272xf32, #tpu.memory_space<vmem_shared>>
      %dma_wait3A_168 = tpu.memref_slice %arg20[%mul3A_6] : memref<100352xf32, #tpu.memory_space<vmem_shared>> -> memref<6272xf32, #tpu.memory_space<vmem_shared>>
      %dma_wait3A_169 = arith.constant 0 : i32
      %dma_wait3A_170 = tpu.memref_slice %arg19[%dma_wait3A_169] : memref<12544xf32, #tpu.memory_space<vmem>> -> memref<6272xf32, #tpu.memory_space<vmem>>
      tpu.wait_dma2 semaphore(%run_scoped3A : memref<!tpu.dma_semaphore, #tpu.memory_space<semaphore_mem>>) src(%dma_wait3A_170 : memref<6272xf32, #tpu.memory_space<vmem>>) dst(%dma_wait3A_168 : memref<6272xf32, #tpu.memory_space<vmem_shared>>)
      tpu.yield
    }) : () -> ()
    %barrier3A = arith.constant 0 : index
    tpu.barrier barrier_id(%barrier3A)
    %mul3A_7 = arith.constant 200000 : i32
    %mul3A_8 = arith.muli %add3A, %mul3A_7 : i32
    %add3A_9 = arith.constant 0 : i32
    %add3A_10 = arith.addi %mul3A_8, %add3A_9 : i32
    %dma_start3A = tpu.memref_slice %arg2[%add3A_10] : memref<6400000xi32, #tpu.memory_space<hbm>> -> memref<4000xi32, #tpu.memory_space<hbm>>
    %dma_start3A_11 = tpu.memref_slice %arg2[%add3A_10] : memref<6400000xi32, #tpu.memory_space<hbm>> -> memref<4000xi32, #tpu.memory_space<hbm>>
    tpu.enqueue_dma source(%dma_start3A_11 : memref<4000xi32, #tpu.memory_space<hbm>>) target(%arg9 : memref<4000xi32, #tpu.memory_space<vmem>>) target_semaphore(%arg23 : memref<!tpu.dma_semaphore, #tpu.memory_space<semaphore_mem>>)
    %dma_start3A_12 = tpu.memref_slice %arg3[%add3A_10] : memref<6400000xf32, #tpu.memory_space<hbm>> -> memref<4000xf32, #tpu.memory_space<hbm>>
    %dma_start3A_13 = tpu.memref_slice %arg3[%add3A_10] : memref<6400000xf32, #tpu.memory_space<hbm>> -> memref<4000xf32, #tpu.memory_space<hbm>>
    tpu.enqueue_dma source(%dma_start3A_13 : memref<4000xf32, #tpu.memory_space<hbm>>) target(%arg10 : memref<4000xf32, #tpu.memory_space<vmem>>) target_semaphore(%arg23 : memref<!tpu.dma_semaphore, #tpu.memory_space<semaphore_mem>>)
    %mul3A_14 = arith.constant 200000 : i32
    %mul3A_15 = arith.muli %add3A, %mul3A_14 : i32
    %add3A_16 = arith.constant 4000 : i32
    %add3A_17 = arith.addi %mul3A_15, %add3A_16 : i32
    %dma_start3A_18 = tpu.memref_slice %arg2[%add3A_17] : memref<6400000xi32, #tpu.memory_space<hbm>> -> memref<4000xi32, #tpu.memory_space<hbm>>
    %dma_start3A_19 = tpu.memref_slice %arg2[%add3A_17] : memref<6400000xi32, #tpu.memory_space<hbm>> -> memref<4000xi32, #tpu.memory_space<hbm>>
    tpu.enqueue_dma source(%dma_start3A_19 : memref<4000xi32, #tpu.memory_space<hbm>>) target(%arg11 : memref<4000xi32, #tpu.memory_space<vmem>>) target_semaphore(%arg24 : memref<!tpu.dma_semaphore, #tpu.memory_space<semaphore_mem>>)
    %dma_start3A_20 = tpu.memref_slice %arg3[%add3A_17] : memref<6400000xf32, #tpu.memory_space<hbm>> -> memref<4000xf32, #tpu.memory_space<hbm>>
    %dma_start3A_21 = tpu.memref_slice %arg3[%add3A_17] : memref<6400000xf32, #tpu.memory_space<hbm>> -> memref<4000xf32, #tpu.memory_space<hbm>>
    tpu.enqueue_dma source(%dma_start3A_21 : memref<4000xf32, #tpu.memory_space<hbm>>) target(%arg12 : memref<4000xf32, #tpu.memory_space<vmem>>) target_semaphore(%arg24 : memref<!tpu.dma_semaphore, #tpu.memory_space<semaphore_mem>>)
    %mul3A_22 = arith.constant 200000 : i32
    %mul3A_23 = arith.muli %add3A, %mul3A_22 : i32
    %add3A_24 = arith.constant 96000 : i32
    %add3A_25 = arith.addi %mul3A_23, %add3A_24 : i32
    %dma_start3A_26 = tpu.memref_slice %arg2[%add3A_25] : memref<6400000xi32, #tpu.memory_space<hbm>> -> memref<4000xi32, #tpu.memory_space<hbm>>
    %dma_start3A_27 = tpu.memref_slice %arg2[%add3A_25] : memref<6400000xi32, #tpu.memory_space<hbm>> -> memref<4000xi32, #tpu.memory_space<hbm>>
    tpu.enqueue_dma source(%dma_start3A_27 : memref<4000xi32, #tpu.memory_space<hbm>>) target(%arg5 : memref<4000xi32, #tpu.memory_space<vmem>>) target_semaphore(%arg21 : memref<!tpu.dma_semaphore, #tpu.memory_space<semaphore_mem>>)
    %dma_start3A_28 = tpu.memref_slice %arg3[%add3A_25] : memref<6400000xf32, #tpu.memory_space<hbm>> -> memref<4000xf32, #tpu.memory_space<hbm>>
    %dma_start3A_29 = tpu.memref_slice %arg3[%add3A_25] : memref<6400000xf32, #tpu.memory_space<hbm>> -> memref<4000xf32, #tpu.memory_space<hbm>>
    tpu.enqueue_dma source(%dma_start3A_29 : memref<4000xf32, #tpu.memory_space<hbm>>) target(%arg6 : memref<4000xf32, #tpu.memory_space<vmem>>) target_semaphore(%arg21 : memref<!tpu.dma_semaphore, #tpu.memory_space<semaphore_mem>>)
    %mul3A_30 = arith.constant 200000 : i32
    %mul3A_31 = arith.muli %add3A, %mul3A_30 : i32
    %add3A_32 = arith.constant 100000 : i32
    %add3A_33 = arith.addi %mul3A_31, %add3A_32 : i32
    %dma_start3A_34 = tpu.memref_slice %arg2[%add3A_33] : memref<6400000xi32, #tpu.memory_space<hbm>> -> memref<4000xi32, #tpu.memory_space<hbm>>
    %dma_start3A_35 = tpu.memref_slice %arg2[%add3A_33] : memref<6400000xi32, #tpu.memory_space<hbm>> -> memref<4000xi32, #tpu.memory_space<hbm>>
    tpu.enqueue_dma source(%dma_start3A_35 : memref<4000xi32, #tpu.memory_space<hbm>>) target(%arg7 : memref<4000xi32, #tpu.memory_space<vmem>>) target_semaphore(%arg22 : memref<!tpu.dma_semaphore, #tpu.memory_space<semaphore_mem>>)
    %dma_start3A_36 = tpu.memref_slice %arg3[%add3A_33] : memref<6400000xf32, #tpu.memory_space<hbm>> -> memref<4000xf32, #tpu.memory_space<hbm>>
    %dma_start3A_37 = tpu.memref_slice %arg3[%add3A_33] : memref<6400000xf32, #tpu.memory_space<hbm>> -> memref<4000xf32, #tpu.memory_space<hbm>>
    tpu.enqueue_dma source(%dma_start3A_37 : memref<4000xf32, #tpu.memory_space<hbm>>) target(%arg8 : memref<4000xf32, #tpu.memory_space<vmem>>) target_semaphore(%arg22 : memref<!tpu.dma_semaphore, #tpu.memory_space<semaphore_mem>>)
    %mul3A_38 = arith.constant 200000 : i32
    %mul3A_39 = arith.muli %add3A, %mul3A_38 : i32
    "tpu.region"() ({
      %run_scoped3A = tpu.sem_alloc : memref<!tpu.dma_semaphore, #tpu.memory_space<semaphore_mem>>
      %dma_start3A_159 = tpu.memref_slice %arg2[%mul3A_39] : memref<6400000xi32, #tpu.memory_space<hbm>> -> memref<16xi32, #tpu.memory_space<hbm>>
      %dma_start3A_160 = tpu.memref_slice %arg2[%mul3A_39] : memref<6400000xi32, #tpu.memory_space<hbm>> -> memref<16xi32, #tpu.memory_space<hbm>>
      tpu.enqueue_dma source(%dma_start3A_160 : memref<16xi32, #tpu.memory_space<hbm>>) target(%arg18 : memref<16xi32, #tpu.memory_space<vmem>>) target_semaphore(%run_scoped3A : memref<!tpu.dma_semaphore, #tpu.memory_space<semaphore_mem>>)
      %dma_wait3A_161 = tpu.memref_slice %arg2[%mul3A_39] : memref<6400000xi32, #tpu.memory_space<hbm>> -> memref<16xi32, #tpu.memory_space<hbm>>
      %dma_wait3A_162 = tpu.memref_slice %arg2[%mul3A_39] : memref<6400000xi32, #tpu.memory_space<hbm>> -> memref<16xi32, #tpu.memory_space<hbm>>
      tpu.wait_dma2 semaphore(%run_scoped3A : memref<!tpu.dma_semaphore, #tpu.memory_space<semaphore_mem>>) src(%dma_wait3A_162 : memref<16xi32, #tpu.memory_space<hbm>>) dst(%arg18 : memref<16xi32, #tpu.memory_space<vmem>>)
      tpu.yield
    }) : () -> ()
    %get3A = arith.constant 0 : index
    %get3A_40 = tpu.vector_load %arg18[%get3A] {strides = array<i32>} : memref<16xi32, #tpu.memory_space<vmem>>, vector<16xi32>,
    %slice3A = vector.extract_strided_slice %get3A_40 {offsets = [0], sizes = [1], strides = [1]} : vector<16xi32> to vector<1xi32>
    %squeeze3A = vector.extract %slice3A[0] : i32 from vector<1xi32>
    %mul3A_41 = arith.constant 200000 : i32
    %mul3A_42 = arith.muli %add3A, %mul3A_41 : i32
    %add3A_43 = arith.constant 200000 : i32
    %add3A_44 = arith.addi %mul3A_42, %add3A_43 : i32
    %sub3A = arith.constant 16 : i32
    %sub3A_45 = arith.subi %add3A_44, %sub3A : i32
    "tpu.region"() ({
      %run_scoped3A = tpu.sem_alloc : memref<!tpu.dma_semaphore, #tpu.memory_space<semaphore_mem>>
      %dma_start3A_159 = tpu.memref_slice %arg2[%sub3A_45] : memref<6400000xi32, #tpu.memory_space<hbm>> -> memref<16xi32, #tpu.memory_space<hbm>>
      %dma_start3A_160 = tpu.memref_slice %arg2[%sub3A_45] : memref<6400000xi32, #tpu.memory_space<hbm>> -> memref<16xi32, #tpu.memory_space<hbm>>
      tpu.enqueue_dma source(%dma_start3A_160 : memref<16xi32, #tpu.memory_space<hbm>>) target(%arg18 : memref<16xi32, #tpu.memory_space<vmem>>) target_semaphore(%run_scoped3A : memref<!tpu.dma_semaphore, #tpu.memory_space<semaphore_mem>>)
      %dma_wait3A_161 = tpu.memref_slice %arg2[%sub3A_45] : memref<6400000xi32, #tpu.memory_space<hbm>> -> memref<16xi32, #tpu.memory_space<hbm>>
      %dma_wait3A_162 = tpu.memref_slice %arg2[%sub3A_45] : memref<6400000xi32, #tpu.memory_space<hbm>> -> memref<16xi32, #tpu.memory_space<hbm>>
      tpu.wait_dma2 semaphore(%run_scoped3A : memref<!tpu.dma_semaphore, #tpu.memory_space<semaphore_mem>>) src(%dma_wait3A_162 : memref<16xi32, #tpu.memory_space<hbm>>) dst(%arg18 : memref<16xi32, #tpu.memory_space<vmem>>)
      tpu.yield
    }) : () -> ()
    %get3A_46 = arith.constant 0 : index
    %get3A_47 = tpu.vector_load %arg18[%get3A_46] {strides = array<i32>} : memref<16xi32, #tpu.memory_space<vmem>>, vector<16xi32>,
    %slice3A_48 = vector.extract_strided_slice %get3A_47 {offsets = [15], sizes = [1], strides = [1]} : vector<16xi32> to vector<1xi32>
    %squeeze3A_49 = vector.extract %slice3A_48[0] : i32 from vector<1xi32>
    %jit3A = arith.constant 3136 : i32
    %div3A = arith.divsi %squeeze3A, %jit3A : i32
    %sign3A = arith.constant 0 : i32
    %sign3A_50 = arith.cmpi sgt, %squeeze3A, %sign3A : i32
    %sign3A_51 = arith.extui %sign3A_50 : i1 to i32
    %sign3A_52 = arith.constant 0 : i32
    %sign3A_53 = arith.cmpi slt, %squeeze3A, %sign3A_52 : i32
    %sign3A_54 = arith.extui %sign3A_53 : i1 to i32
    %sign3A_55 = arith.subi %sign3A_51, %sign3A_54 : i32
    %sign3A_56 = arith.constant 0 : i32
    %sign3A_57 = arith.cmpi sgt, %jit3A, %sign3A_56 : i32
    %sign3A_58 = arith.extui %sign3A_57 : i1 to i32
    %sign3A_59 = arith.constant 0 : i32
    %sign3A_60 = arith.cmpi slt, %jit3A, %sign3A_59 : i32
    %sign3A_61 = arith.extui %sign3A_60 : i1 to i32
    %sign3A_62 = arith.subi %sign3A_58, %sign3A_61 : i32
    %ne3A = arith.cmpi ne, %sign3A_55, %sign3A_62 : i32
    %rem3A = arith.remsi %squeeze3A, %jit3A : i32
    %ne3A_63 = arith.constant 0 : i32
    %ne3A_64 = arith.cmpi ne, %rem3A, %ne3A_63 : i32
    %and3A = arith.andi %ne3A, %ne3A_64 : i1
    %sub3A_65 = arith.constant 1 : i32
    %sub3A_66 = arith.subi %div3A, %sub3A_65 : i32
    %select_n3A = arith.select %and3A, %sub3A_66, %div3A : i32
    %jit3A_67 = arith.constant 3136 : i32
    %div3A_68 = arith.divsi %squeeze3A_49, %jit3A_67 : i32
    %sign3A_69 = arith.constant 0 : i32
    %sign3A_70 = arith.cmpi sgt, %squeeze3A_49, %sign3A_69 : i32
    %sign3A_71 = arith.extui %sign3A_70 : i1 to i32
    %sign3A_72 = arith.constant 0 : i32
    %sign3A_73 = arith.cmpi slt, %squeeze3A_49, %sign3A_72 : i32
    %sign3A_74 = arith.extui %sign3A_73 : i1 to i32
    %sign3A_75 = arith.subi %sign3A_71, %sign3A_74 : i32
    %sign3A_76 = arith.constant 0 : i32
    %sign3A_77 = arith.cmpi sgt, %jit3A_67, %sign3A_76 : i32
    %sign3A_78 = arith.extui %sign3A_77 : i1 to i32
    %sign3A_79 = arith.constant 0 : i32
    %sign3A_80 = arith.cmpi slt, %jit3A_67, %sign3A_79 : i32
    %sign3A_81 = arith.extui %sign3A_80 : i1 to i32
    %sign3A_82 = arith.subi %sign3A_78, %sign3A_81 : i32
    %ne3A_83 = arith.cmpi ne, %sign3A_75, %sign3A_82 : i32
    %rem3A_84 = arith.remsi %squeeze3A_49, %jit3A_67 : i32
    %ne3A_85 = arith.constant 0 : i32
    %ne3A_86 = arith.cmpi ne, %rem3A_84, %ne3A_85 : i32
    %and3A_87 = arith.andi %ne3A_83, %ne3A_86 : i1
    %sub3A_88 = arith.constant 1 : i32
    %sub3A_89 = arith.subi %div3A_68, %sub3A_88 : i32
    %select_n3A_90 = arith.select %and3A_87, %sub3A_89, %div3A_68 : i32
    %sub3A_91 = arith.subi %select_n3A_90, %select_n3A : i32
    %lt3A = arith.constant 4 : i32
    %lt3A_92 = arith.cmpi slt, %sub3A_91, %lt3A : i32
    %mul3A_93 = arith.constant 3136 : i32
    %mul3A_94 = arith.muli %select_n3A, %mul3A_93 : i32
    %iota3A = tpu.iota {dimensions = array<i32: 0>} : vector<16xi32>
    %sub3A_95 = arith.constant 1 : i32
    %sub3A_96 = vector.broadcast %sub3A_95 : i32 to vector<16xi32>
    %sub3A_97 = arith.subi %iota3A, %sub3A_96 : vector<16xi32>
    %max3A = arith.constant 0 : i32
    %max3A_98 = vector.broadcast %max3A : i32 to vector<16xi32>
    %max3A_99 = arith.maxsi %sub3A_97, %max3A_98 : vector<16xi32>
    %add3A_100 = arith.constant 3984 : i32
    %add3A_101 = vector.broadcast %add3A_100 : i32 to vector<16xi32>
    %add3A_102 = arith.addi %iota3A, %add3A_101 : vector<16xi32>
    %add3A_103 = arith.constant 1 : i32
    %add3A_104 = vector.broadcast %add3A_103 : i32 to vector<16xi32>
    %add3A_105 = arith.addi %add3A_102, %add3A_104 : vector<16xi32>
    %min3A = arith.constant 3999 : i32
    %min3A_106 = vector.broadcast %min3A : i32 to vector<16xi32>
    %min3A_107 = arith.minsi %add3A_105, %min3A_106 : vector<16xi32>
    %eq3A = arith.constant 0 : i32
    %eq3A_108 = vector.broadcast %eq3A : i32 to vector<16xi32>
    %eq3A_109 = arith.cmpi eq, %iota3A, %eq3A_108 : vector<16xi32>
    %eq3A_110 = arith.constant 15 : i32
    %eq3A_111 = vector.broadcast %eq3A_110 : i32 to vector<16xi32>
    %eq3A_112 = arith.cmpi eq, %iota3A, %eq3A_111 : vector<16xi32>
    %scan3A_113 = arith.constant 0 : i32
    %scan3A_114 = arith.constant 26 : i32
    %scan3A_115 = arith.addi %scan3A_113, %scan3A_114 : i32
    %scan3A_116 = arith.constant 1 : i32
    scf.for %scan3A_159 = %scan3A_113 to %scan3A_115 step %scan3A_116  : i32 {
      %lt3A_160 = arith.constant 26 : i32
      %lt3A_161 = arith.cmpi slt, %scan3A_159, %lt3A_160 : i32
      %jit3A_162 = arith.constant 2 : i32
      %eq3A_163 = arith.constant 0 : i32
      %eq3A_164 = arith.cmpi eq, %jit3A_162, %eq3A_163 : i32
      %jit3A_165 = arith.constant 1 : i32
      %select_n3A_166 = arith.select %eq3A_164, %jit3A_165, %jit3A_162 : i32
      %rem3A_167 = arith.remsi %scan3A_159, %select_n3A_166 : i32
      %ne3A_168 = arith.constant 0 : i32
      %ne3A_169 = arith.cmpi ne, %rem3A_167, %ne3A_168 : i32
      %lt3A_170 = arith.constant 0 : i32
      %lt3A_171 = arith.cmpi slt, %rem3A_167, %lt3A_170 : i32
      %lt3A_172 = arith.constant 0 : i32
      %lt3A_173 = arith.cmpi slt, %select_n3A_166, %lt3A_172 : i32
      %ne3A_174 = arith.xori %lt3A_171, %lt3A_173 : i1
      %and3A_175 = arith.andi %ne3A_174, %ne3A_169 : i1
      %add3A_176 = arith.addi %rem3A_167, %select_n3A_166 : i32
      %select_n3A_177 = arith.select %and3A_175, %add3A_176, %rem3A_167 : i32
      %eq3A_178 = arith.constant 0 : i32
      %eq3A_179 = arith.cmpi eq, %select_n3A_177, %eq3A_178 : i32
      %and3A_180 = arith.andi %lt3A_161, %eq3A_179 : i1
      %convert_element_type3A_181 = arith.extui %and3A_180 : i1 to i32
      %cond3A_182 = arith.constant 0 : i32
      %cond3A_183 = arith.cmpi ne, %convert_element_type3A_181, %cond3A_182 : i32
      scf.if %cond3A_183 {
        %dma_wait3A_416 = arith.constant 0 : i32
        %dma_wait3A_417 = tpu.memref_slice %arg2[%dma_wait3A_416] : memref<6400000xi32, #tpu.memory_space<hbm>> -> memref<4000xi32, #tpu.memory_space<hbm>>
        %dma_wait3A_418 = arith.constant 0 : i32
        %dma_wait3A_419 = tpu.memref_slice %arg2[%dma_wait3A_418] : memref<6400000xi32, #tpu.memory_space<hbm>> -> memref<4000xi32, #tpu.memory_space<hbm>>
        tpu.wait_dma2 semaphore(%arg21 : memref<!tpu.dma_semaphore, #tpu.memory_space<semaphore_mem>>) src(%dma_wait3A_419 : memref<4000xi32, #tpu.memory_space<hbm>>) dst(%arg5 : memref<4000xi32, #tpu.memory_space<vmem>>)
        %dma_wait3A_420 = arith.constant 0 : i32
        %dma_wait3A_421 = tpu.memref_slice %arg3[%dma_wait3A_420] : memref<6400000xf32, #tpu.memory_space<hbm>> -> memref<4000xf32, #tpu.memory_space<hbm>>
        %dma_wait3A_422 = arith.constant 0 : i32
        %dma_wait3A_423 = tpu.memref_slice %arg3[%dma_wait3A_422] : memref<6400000xf32, #tpu.memory_space<hbm>> -> memref<4000xf32, #tpu.memory_space<hbm>>
        tpu.wait_dma2 semaphore(%arg21 : memref<!tpu.dma_semaphore, #tpu.memory_space<semaphore_mem>>) src(%dma_wait3A_423 : memref<4000xf32, #tpu.memory_space<hbm>>) dst(%arg6 : memref<4000xf32, #tpu.memory_space<vmem>>)
        %convert_element_type3A_424 = arith.extui %lt3A_92 : i1 to i32
        %cond3A_425 = arith.constant 0 : i32
        %cond3A_426 = arith.cmpi ne, %convert_element_type3A_424, %cond3A_425 : i32
        scf.if %cond3A_426 {
          %get3A_438 = arith.constant 0 : index
          %get3A_439 = tpu.vector_load %arg5[%get3A_438] {strides = array<i32>} : memref<4000xi32, #tpu.memory_space<vmem>>, vector<16xi32>,
          %get3A_440 = arith.constant 0 : index
          %get3A_441 = tpu.vector_load %arg6[%get3A_440] {strides = array<i32>} : memref<4000xf32, #tpu.memory_space<vmem>>, vector<16xf32>,
          %gather3A = tpu.vector_load_idx %arg5[%max3A_99] : memref<4000xi32, #tpu.memory_space<vmem>>[vector<16xi32>], vector<16xi32>,
          %get3A_442 = arith.constant 1 : index
          %get3A_443 = tpu.vector_load %arg5[%get3A_442] {strides = array<i32>} : memref<4000xi32, #tpu.memory_space<vmem>>, vector<16xi32>,
          %broadcast_in_dim3A = arith.constant true
          %broadcast_in_dim3A_444 = vector.broadcast %broadcast_in_dim3A : i1 to vector<16xi1>
          %masked_cumsum3A = tpu.scan <sum>, %get3A_441 masked %broadcast_in_dim3A_444 : vector<16xf32>, vector<16xi1> -> vector<16xf32>
          %sub3A_445 = arith.subf %masked_cumsum3A, %get3A_441 : vector<16xf32>
          %ne3A_446 = arith.cmpi ne, %get3A_439, %get3A_443 : vector<16xi32>
          %or3A = arith.ori %ne3A_446, %eq3A_112 : vector<16xi1>
          %ne3A_447 = arith.cmpi ne, %get3A_439, %gather3A : vector<16xi32>
          %or3A_448 = arith.ori %ne3A_447, %eq3A_109 : vector<16xi1>
          %sub3A_449 = vector.broadcast %mul3A_94 : i32 to vector<16xi32>
          %sub3A_450 = arith.subi %get3A_439, %sub3A_449 : vector<16xi32>
          tpu.vector_store_idx %arg19[%sub3A_450], %masked_cumsum3A masked %or3A {add = true} : memref<12544xf32, #tpu.memory_space<vmem>>[vector<16xi32>], vector<16xf32>, vector<16xi1>
          %neg3A = arith.constant 0.000000e+00 : f32
          %neg3A_451 = vector.broadcast %neg3A : f32 to vector<16xf32>
          %neg3A_452 = arith.subf %neg3A_451, %sub3A_445 : vector<16xf32>
          tpu.vector_store_idx %arg19[%sub3A_450], %neg3A_452 masked %or3A_448 {add = true} : memref<12544xf32, #tpu.memory_space<vmem>>[vector<16xi32>], vector<16xf32>, vector<16xi1>
          %scan3A_453 = arith.constant 0 : i32
          %scan3A_454 = arith.constant 62 : i32
          %scan3A_455 = arith.addi %scan3A_453, %scan3A_454 : i32
          %scan3A_456 = arith.constant 1 : i32
          scf.for %scan3A_478 = %scan3A_453 to %scan3A_455 step %scan3A_456  : i32 {
            %mul3A_479 = arith.constant 64 : i32
            %mul3A_480 = arith.muli %mul3A_479, %scan3A_478 : i32
            %add3A_481 = arith.constant 0 : i32
            %add3A_482 = arith.addi %mul3A_480, %add3A_481 : i32
            %add3A_483 = arith.constant 16 : i32
            %add3A_484 = arith.addi %add3A_482, %add3A_483 : i32
            %get3A_485 = arith.index_cast %add3A_484 : i32 to index
            %get3A_486 = tpu.vector_load %arg5[%get3A_485] {strides = array<i32>} : memref<4000xi32, #tpu.memory_space<vmem>>, vector<16xi32>,
            %get3A_487 = arith.index_cast %add3A_484 : i32 to index
            %get3A_488 = tpu.vector_load %arg6[%get3A_487] {strides = array<i32>} : memref<4000xf32, #tpu.memory_space<vmem>>, vector<16xf32>,
            %sub3A_489 = arith.constant 1 : i32
            %sub3A_490 = arith.subi %add3A_484, %sub3A_489 : i32
            %get3A_491 = arith.index_cast %sub3A_490 : i32 to index
            %get3A_492 = tpu.vector_load %arg5[%get3A_491] {strides = array<i32>} : memref<4000xi32, #tpu.memory_space<vmem>>, vector<16xi32>,
            %add3A_493 = arith.constant 1 : i32
            %add3A_494 = arith.addi %add3A_484, %add3A_493 : i32
            %get3A_495 = arith.index_cast %add3A_494 : i32 to index
            %get3A_496 = tpu.vector_load %arg5[%get3A_495] {strides = array<i32>} : memref<4000xi32, #tpu.memory_space<vmem>>, vector<16xi32>,
            %broadcast_in_dim3A_497 = arith.constant true
            %broadcast_in_dim3A_498 = vector.broadcast %broadcast_in_dim3A_497 : i1 to vector<16xi1>
            %masked_cumsum3A_499 = tpu.scan <sum>, %get3A_488 masked %broadcast_in_dim3A_498 : vector<16xf32>, vector<16xi1> -> vector<16xf32>
            %sub3A_500 = arith.subf %masked_cumsum3A_499, %get3A_488 : vector<16xf32>
            %ne3A_501 = arith.cmpi ne, %get3A_486, %get3A_496 : vector<16xi32>
            %or3A_502 = arith.ori %ne3A_501, %eq3A_112 : vector<16xi1>
            %ne3A_503 = arith.cmpi ne, %get3A_486, %get3A_492 : vector<16xi32>
            %or3A_504 = arith.ori %ne3A_503, %eq3A_109 : vector<16xi1>
            %sub3A_505 = vector.broadcast %mul3A_94 : i32 to vector<16xi32>
            %sub3A_506 = arith.subi %get3A_486, %sub3A_505 : vector<16xi32>
            tpu.vector_store_idx %arg19[%sub3A_506], %masked_cumsum3A_499 masked %or3A_502 {add = true} : memref<12544xf32, #tpu.memory_space<vmem>>[vector<16xi32>], vector<16xf32>, vector<16xi1>
            %neg3A_507 = arith.constant 0.000000e+00 : f32
            %neg3A_508 = vector.broadcast %neg3A_507 : f32 to vector<16xf32>
            %neg3A_509 = arith.subf %neg3A_508, %sub3A_500 : vector<16xf32>
            tpu.vector_store_idx %arg19[%sub3A_506], %neg3A_509 masked %or3A_504 {add = true} : memref<12544xf32, #tpu.memory_space<vmem>>[vector<16xi32>], vector<16xf32>, vector<16xi1>
            %mul3A_510 = arith.constant 64 : i32
            %mul3A_511 = arith.muli %mul3A_510, %scan3A_478 : i32
            %add3A_512 = arith.constant 16 : i32
            %add3A_513 = arith.addi %mul3A_511, %add3A_512 : i32
            %add3A_514 = arith.constant 16 : i32
            %add3A_515 = arith.addi %add3A_513, %add3A_514 : i32
            %get3A_516 = arith.index_cast %add3A_515 : i32 to index
            %get3A_517 = tpu.vector_load %arg5[%get3A_516] {strides = array<i32>} : memref<4000xi32, #tpu.memory_space<vmem>>, vector<16xi32>,
            %get3A_518 = arith.index_cast %add3A_515 : i32 to index
            %get3A_519 = tpu.vector_load %arg6[%get3A_518] {strides = array<i32>} : memref<4000xf32, #tpu.memory_space<vmem>>, vector<16xf32>,
            %sub3A_520 = arith.constant 1 : i32
            %sub3A_521 = arith.subi %add3A_515, %sub3A_520 : i32
            %get3A_522 = arith.index_cast %sub3A_521 : i32 to index
            %get3A_523 = tpu.vector_load %arg5[%get3A_522] {strides = array<i32>} : memref<4000xi32, #tpu.memory_space<vmem>>, vector<16xi32>,
            %add3A_524 = arith.constant 1 : i32
            %add3A_525 = arith.addi %add3A_515, %add3A_524 : i32
            %get3A_526 = arith.index_cast %add3A_525 : i32 to index
            %get3A_527 = tpu.vector_load %arg5[%get3A_526] {strides = array<i32>} : memref<4000xi32, #tpu.memory_space<vmem>>, vector<16xi32>,
            %broadcast_in_dim3A_528 = arith.constant true
            %broadcast_in_dim3A_529 = vector.broadcast %broadcast_in_dim3A_528 : i1 to vector<16xi1>
            %masked_cumsum3A_530 = tpu.scan <sum>, %get3A_519 masked %broadcast_in_dim3A_529 : vector<16xf32>, vector<16xi1> -> vector<16xf32>
            %sub3A_531 = arith.subf %masked_cumsum3A_530, %get3A_519 : vector<16xf32>
            %ne3A_532 = arith.cmpi ne, %get3A_517, %get3A_527 : vector<16xi32>
            %or3A_533 = arith.ori %ne3A_532, %eq3A_112 : vector<16xi1>
            %ne3A_534 = arith.cmpi ne, %get3A_517, %get3A_523 : vector<16xi32>
            %or3A_535 = arith.ori %ne3A_534, %eq3A_109 : vector<16xi1>
            %sub3A_536 = vector.broadcast %mul3A_94 : i32 to vector<16xi32>
            %sub3A_537 = arith.subi %get3A_517, %sub3A_536 : vector<16xi32>
            tpu.vector_store_idx %arg19[%sub3A_537], %masked_cumsum3A_530 masked %or3A_533 {add = true} : memref<12544xf32, #tpu.memory_space<vmem>>[vector<16xi32>], vector<16xf32>, vector<16xi1>
            %neg3A_538 = arith.constant 0.000000e+00 : f32
            %neg3A_539 = vector.broadcast %neg3A_538 : f32 to vector<16xf32>
            %neg3A_540 = arith.subf %neg3A_539, %sub3A_531 : vector<16xf32>
            tpu.vector_store_idx %arg19[%sub3A_537], %neg3A_540 masked %or3A_535 {add = true} : memref<12544xf32, #tpu.memory_space<vmem>>[vector<16xi32>], vector<16xf32>, vector<16xi1>
            %mul3A_541 = arith.constant 64 : i32
            %mul3A_542 = arith.muli %mul3A_541, %scan3A_478 : i32
            %add3A_543 = arith.constant 32 : i32
            %add3A_544 = arith.addi %mul3A_542, %add3A_543 : i32
            %add3A_545 = arith.constant 16 : i32
            %add3A_546 = arith.addi %add3A_544, %add3A_545 : i32
            %get3A_547 = arith.index_cast %add3A_546 : i32 to index
            %get3A_548 = tpu.vector_load %arg5[%get3A_547] {strides = array<i32>} : memref<4000xi32, #tpu.memory_space<vmem>>, vector<16xi32>,
            %get3A_549 = arith.index_cast %add3A_546 : i32 to index
            %get3A_550 = tpu.vector_load %arg6[%get3A_549] {strides = array<i32>} : memref<4000xf32, #tpu.memory_space<vmem>>, vector<16xf32>,
            %sub3A_551 = arith.constant 1 : i32
            %sub3A_552 = arith.subi %add3A_546, %sub3A_551 : i32
            %get3A_553 = arith.index_cast %sub3A_552 : i32 to index
            %get3A_554 = tpu.vector_load %arg5[%get3A_553] {strides = array<i32>} : memref<4000xi32, #tpu.memory_space<vmem>>, vector<16xi32>,
            %add3A_555 = arith.constant 1 : i32
            %add3A_556 = arith.addi %add3A_546, %add3A_555 : i32
            %get3A_557 = arith.index_cast %add3A_556 : i32 to index
            %get3A_558 = tpu.vector_load %arg5[%get3A_557] {strides = array<i32>} : memref<4000xi32, #tpu.memory_space<vmem>>, vector<16xi32>,
            %broadcast_in_dim3A_559 = arith.constant true
            %broadcast_in_dim3A_560 = vector.broadcast %broadcast_in_dim3A_559 : i1 to vector<16xi1>
            %masked_cumsum3A_561 = tpu.scan <sum>, %get3A_550 masked %broadcast_in_dim3A_560 : vector<16xf32>, vector<16xi1> -> vector<16xf32>
            %sub3A_562 = arith.subf %masked_cumsum3A_561, %get3A_550 : vector<16xf32>
            %ne3A_563 = arith.cmpi ne, %get3A_548, %get3A_558 : vector<16xi32>
            %or3A_564 = arith.ori %ne3A_563, %eq3A_112 : vector<16xi1>
            %ne3A_565 = arith.cmpi ne, %get3A_548, %get3A_554 : vector<16xi32>
            %or3A_566 = arith.ori %ne3A_565, %eq3A_109 : vector<16xi1>
            %sub3A_567 = vector.broadcast %mul3A_94 : i32 to vector<16xi32>
            %sub3A_568 = arith.subi %get3A_548, %sub3A_567 : vector<16xi32>
            tpu.vector_store_idx %arg19[%sub3A_568], %masked_cumsum3A_561 masked %or3A_564 {add = true} : memref<12544xf32, #tpu.memory_space<vmem>>[vector<16xi32>], vector<16xf32>, vector<16xi1>
            %neg3A_569 = arith.constant 0.000000e+00 : f32
            %neg3A_570 = vector.broadcast %neg3A_569 : f32 to vector<16xf32>
            %neg3A_571 = arith.subf %neg3A_570, %sub3A_562 : vector<16xf32>
            tpu.vector_store_idx %arg19[%sub3A_568], %neg3A_571 masked %or3A_566 {add = true} : memref<12544xf32, #tpu.memory_space<vmem>>[vector<16xi32>], vector<16xf32>, vector<16xi1>
            %mul3A_572 = arith.constant 64 : i32
            %mul3A_573 = arith.muli %mul3A_572, %scan3A_478 : i32
            %add3A_574 = arith.constant 48 : i32
            %add3A_575 = arith.addi %mul3A_573, %add3A_574 : i32
            %add3A_576 = arith.constant 16 : i32
            %add3A_577 = arith.addi %add3A_575, %add3A_576 : i32
            %get3A_578 = arith.index_cast %add3A_577 : i32 to index
            %get3A_579 = tpu.vector_load %arg5[%get3A_578] {strides = array<i32>} : memref<4000xi32, #tpu.memory_space<vmem>>, vector<16xi32>,
            %get3A_580 = arith.index_cast %add3A_577 : i32 to index
            %get3A_581 = tpu.vector_load %arg6[%get3A_580] {strides = array<i32>} : memref<4000xf32, #tpu.memory_space<vmem>>, vector<16xf32>,
            %sub3A_582 = arith.constant 1 : i32
            %sub3A_583 = arith.subi %add3A_577, %sub3A_582 : i32
            %get3A_584 = arith.index_cast %sub3A_583 : i32 to index
            %get3A_585 = tpu.vector_load %arg5[%get3A_584] {strides = array<i32>} : memref<4000xi32, #tpu.memory_space<vmem>>, vector<16xi32>,
            %add3A_586 = arith.constant 1 : i32
            %add3A_587 = arith.addi %add3A_577, %add3A_586 : i32
            %get3A_588 = arith.index_cast %add3A_587 : i32 to index
            %get3A_589 = tpu.vector_load %arg5[%get3A_588] {strides = array<i32>} : memref<4000xi32, #tpu.memory_space<vmem>>, vector<16xi32>,
            %broadcast_in_dim3A_590 = arith.constant true
            %broadcast_in_dim3A_591 = vector.broadcast %broadcast_in_dim3A_590 : i1 to vector<16xi1>
            %masked_cumsum3A_592 = tpu.scan <sum>, %get3A_581 masked %broadcast_in_dim3A_591 : vector<16xf32>, vector<16xi1> -> vector<16xf32>
            %sub3A_593 = arith.subf %masked_cumsum3A_592, %get3A_581 : vector<16xf32>
            %ne3A_594 = arith.cmpi ne, %get3A_579, %get3A_589 : vector<16xi32>
            %or3A_595 = arith.ori %ne3A_594, %eq3A_112 : vector<16xi1>
            %ne3A_596 = arith.cmpi ne, %get3A_579, %get3A_585 : vector<16xi32>
            %or3A_597 = arith.ori %ne3A_596, %eq3A_109 : vector<16xi1>
            %sub3A_598 = vector.broadcast %mul3A_94 : i32 to vector<16xi32>
            %sub3A_599 = arith.subi %get3A_579, %sub3A_598 : vector<16xi32>
            tpu.vector_store_idx %arg19[%sub3A_599], %masked_cumsum3A_592 masked %or3A_595 {add = true} : memref<12544xf32, #tpu.memory_space<vmem>>[vector<16xi32>], vector<16xf32>, vector<16xi1>
            %neg3A_600 = arith.constant 0.000000e+00 : f32
            %neg3A_601 = vector.broadcast %neg3A_600 : f32 to vector<16xf32>
            %neg3A_602 = arith.subf %neg3A_601, %sub3A_593 : vector<16xf32>
            tpu.vector_store_idx %arg19[%sub3A_599], %neg3A_602 masked %or3A_597 {add = true} : memref<12544xf32, #tpu.memory_space<vmem>>[vector<16xi32>], vector<16xf32>, vector<16xi1>
          }
          %scan3A_457 = arith.constant 62 : i32
          %get3A_458 = arith.constant 3984 : index
          %get3A_459 = tpu.vector_load %arg5[%get3A_458] {strides = array<i32>} : memref<4000xi32, #tpu.memory_space<vmem>>, vector<16xi32>,
          %get3A_460 = arith.constant 3984 : index
          %get3A_461 = tpu.vector_load %arg6[%get3A_460] {strides = array<i32>} : memref<4000xf32, #tpu.memory_space<vmem>>, vector<16xf32>,
          %get3A_462 = arith.constant 3983 : index
          %get3A_463 = tpu.vector_load %arg5[%get3A_462] {strides = array<i32>} : memref<4000xi32, #tpu.memory_space<vmem>>, vector<16xi32>,
          %gather3A_464 = tpu.vector_load_idx %arg5[%min3A_107] : memref<4000xi32, #tpu.memory_space<vmem>>[vector<16xi32>], vector<16xi32>,
          %broadcast_in_dim3A_465 = arith.constant true
          %broadcast_in_dim3A_466 = vector.broadcast %broadcast_in_dim3A_465 : i1 to vector<16xi1>
          %masked_cumsum3A_467 = tpu.scan <sum>, %get3A_461 masked %broadcast_in_dim3A_466 : vector<16xf32>, vector<16xi1> -> vector<16xf32>
          %sub3A_468 = arith.subf %masked_cumsum3A_467, %get3A_461 : vector<16xf32>
          %ne3A_469 = arith.cmpi ne, %get3A_459, %gather3A_464 : vector<16xi32>
          %or3A_470 = arith.ori %ne3A_469, %eq3A_112 : vector<16xi1>
          %ne3A_471 = arith.cmpi ne, %get3A_459, %get3A_463 : vector<16xi32>
          %or3A_472 = arith.ori %ne3A_471, %eq3A_109 : vector<16xi1>
          %sub3A_473 = vector.broadcast %mul3A_94 : i32 to vector<16xi32>
          %sub3A_474 = arith.subi %get3A_459, %sub3A_473 : vector<16xi32>
          tpu.vector_store_idx %arg19[%sub3A_474], %masked_cumsum3A_467 masked %or3A_470 {add = true} : memref<12544xf32, #tpu.memory_space<vmem>>[vector<16xi32>], vector<16xf32>, vector<16xi1>
          %neg3A_475 = arith.constant 0.000000e+00 : f32
          %neg3A_476 = vector.broadcast %neg3A_475 : f32 to vector<16xf32>
          %neg3A_477 = arith.subf %neg3A_476, %sub3A_468 : vector<16xf32>
          tpu.vector_store_idx %arg19[%sub3A_474], %neg3A_477 masked %or3A_472 {add = true} : memref<12544xf32, #tpu.memory_space<vmem>>[vector<16xi32>], vector<16xf32>, vector<16xi1>
        } else {
        }
        %not3A = arith.constant true
        %not3A_427 = arith.xori %lt3A_92, %not3A : i1
        %convert_element_type3A_428 = arith.extui %not3A_427 : i1 to i32
        %cond3A_429 = arith.constant 0 : i32
        %cond3A_430 = arith.cmpi ne, %convert_element_type3A_428, %cond3A_429 : i32
        scf.if %cond3A_430 {
          "tpu.region"() ({
            %run_scoped3A = tpu.sem_alloc : memref<!tpu.dma_semaphore, #tpu.memory_space<semaphore_mem>>
            %dma_start3A_438 = arith.constant 0 : i32
            %dma_start3A_439 = tpu.memref_slice %arg20[%dma_start3A_438] : memref<100352xf32, #tpu.memory_space<vmem_shared>> -> memref<100352xf32, #tpu.memory_space<vmem_shared>>
            tpu.enqueue_indirect_dma source(%arg6 : memref<4000xf32, #tpu.memory_space<vmem>>) target(%dma_start3A_439 : memref<100352xf32, #tpu.memory_space<vmem_shared>>) offsets(%arg5 : memref<4000xi32, #tpu.memory_space<vmem>>) semaphore(%run_scoped3A : memref<!tpu.dma_semaphore, #tpu.memory_space<semaphore_mem>>) {add = true}
            %dma_wait3A_440 = arith.constant 0 : i32
            %dma_wait3A_441 = tpu.memref_slice %arg20[%dma_wait3A_440] : memref<100352xf32, #tpu.memory_space<vmem_shared>> -> memref<100352xf32, #tpu.memory_space<vmem_shared>>
            tpu.wait_indirect_dma semaphore(%run_scoped3A : memref<!tpu.dma_semaphore, #tpu.memory_space<semaphore_mem>>) src(%arg6 : memref<4000xf32, #tpu.memory_space<vmem>>) dst(%dma_wait3A_441 : memref<100352xf32, #tpu.memory_space<vmem_shared>>)
            tpu.yield
          }) : () -> ()
        } else {
        }
        %add3A_431 = arith.constant 2 : i32
        %add3A_432 = arith.addi %scan3A_159, %add3A_431 : i32
        %lt3A_433 = arith.constant 26 : i32
        %lt3A_434 = arith.cmpi slt, %add3A_432, %lt3A_433 : i32
        %convert_element_type3A_435 = arith.extui %lt3A_434 : i1 to i32
        %cond3A_436 = arith.constant 0 : i32
        %cond3A_437 = arith.cmpi ne, %convert_element_type3A_435, %cond3A_436 : i32
        scf.if %cond3A_437 {
          %add3A_438 = arith.constant 24 : i32
          %add3A_439 = arith.addi %add3A_438, %scan3A_159 : i32
          %add3A_440 = arith.constant 2 : i32
          %add3A_441 = arith.addi %add3A_439, %add3A_440 : i32
          %mul3A_442 = arith.constant 200000 : i32
          %mul3A_443 = arith.muli %add3A, %mul3A_442 : i32
          %mul3A_444 = arith.constant 4000 : i32
          %mul3A_445 = arith.muli %add3A_441, %mul3A_444 : i32
          %add3A_446 = arith.addi %mul3A_443, %mul3A_445 : i32
          %dma_start3A_447 = tpu.memref_slice %arg2[%add3A_446] : memref<6400000xi32, #tpu.memory_space<hbm>> -> memref<4000xi32, #tpu.memory_space<hbm>>
          %dma_start3A_448 = tpu.memref_slice %arg2[%add3A_446] : memref<6400000xi32, #tpu.memory_space<hbm>> -> memref<4000xi32, #tpu.memory_space<hbm>>
          tpu.enqueue_dma source(%dma_start3A_448 : memref<4000xi32, #tpu.memory_space<hbm>>) target(%arg5 : memref<4000xi32, #tpu.memory_space<vmem>>) target_semaphore(%arg21 : memref<!tpu.dma_semaphore, #tpu.memory_space<semaphore_mem>>)
          %dma_start3A_449 = tpu.memref_slice %arg3[%add3A_446] : memref<6400000xf32, #tpu.memory_space<hbm>> -> memref<4000xf32, #tpu.memory_space<hbm>>
          %dma_start3A_450 = tpu.memref_slice %arg3[%add3A_446] : memref<6400000xf32, #tpu.memory_space<hbm>> -> memref<4000xf32, #tpu.memory_space<hbm>>
          tpu.enqueue_dma source(%dma_start3A_450 : memref<4000xf32, #tpu.memory_space<hbm>>) target(%arg6 : memref<4000xf32, #tpu.memory_space<vmem>>) target_semaphore(%arg21 : memref<!tpu.dma_semaphore, #tpu.memory_space<semaphore_mem>>)
        } else {
        }
      } else {
      }
      %lt3A_184 = arith.constant 26 : i32
      %lt3A_185 = arith.cmpi slt, %scan3A_159, %lt3A_184 : i32
      %jit3A_186 = arith.constant 2 : i32
      %eq3A_187 = arith.constant 0 : i32
      %eq3A_188 = arith.cmpi eq, %jit3A_186, %eq3A_187 : i32
      %jit3A_189 = arith.constant 1 : i32
      %select_n3A_190 = arith.select %eq3A_188, %jit3A_189, %jit3A_186 : i32
      %rem3A_191 = arith.remsi %scan3A_159, %select_n3A_190 : i32
      %ne3A_192 = arith.constant 0 : i32
      %ne3A_193 = arith.cmpi ne, %rem3A_191, %ne3A_192 : i32
      %lt3A_194 = arith.constant 0 : i32
      %lt3A_195 = arith.cmpi slt, %rem3A_191, %lt3A_194 : i32
      %lt3A_196 = arith.constant 0 : i32
      %lt3A_197 = arith.cmpi slt, %select_n3A_190, %lt3A_196 : i32
      %ne3A_198 = arith.xori %lt3A_195, %lt3A_197 : i1
      %and3A_199 = arith.andi %ne3A_198, %ne3A_193 : i1
      %add3A_200 = arith.addi %rem3A_191, %select_n3A_190 : i32
      %select_n3A_201 = arith.select %and3A_199, %add3A_200, %rem3A_191 : i32
      %eq3A_202 = arith.constant 1 : i32
      %eq3A_203 = arith.cmpi eq, %select_n3A_201, %eq3A_202 : i32
      %and3A_204 = arith.andi %lt3A_185, %eq3A_203 : i1
      %convert_element_type3A_205 = arith.extui %and3A_204 : i1 to i32
      %cond3A_206 = arith.constant 0 : i32
      %cond3A_207 = arith.cmpi ne, %convert_element_type3A_205, %cond3A_206 : i32
      scf.if %cond3A_207 {
        %dma_wait3A_416 = arith.constant 0 : i32
        %dma_wait3A_417 = tpu.memref_slice %arg2[%dma_wait3A_416] : memref<6400000xi32, #tpu.memory_space<hbm>> -> memref<4000xi32, #tpu.memory_space<hbm>>
        %dma_wait3A_418 = arith.constant 0 : i32
        %dma_wait3A_419 = tpu.memref_slice %arg2[%dma_wait3A_418] : memref<6400000xi32, #tpu.memory_space<hbm>> -> memref<4000xi32, #tpu.memory_space<hbm>>
        tpu.wait_dma2 semaphore(%arg22 : memref<!tpu.dma_semaphore, #tpu.memory_space<semaphore_mem>>) src(%dma_wait3A_419 : memref<4000xi32, #tpu.memory_space<hbm>>) dst(%arg7 : memref<4000xi32, #tpu.memory_space<vmem>>)
        %dma_wait3A_420 = arith.constant 0 : i32
        %dma_wait3A_421 = tpu.memref_slice %arg3[%dma_wait3A_420] : memref<6400000xf32, #tpu.memory_space<hbm>> -> memref<4000xf32, #tpu.memory_space<hbm>>
        %dma_wait3A_422 = arith.constant 0 : i32
        %dma_wait3A_423 = tpu.memref_slice %arg3[%dma_wait3A_422] : memref<6400000xf32, #tpu.memory_space<hbm>> -> memref<4000xf32, #tpu.memory_space<hbm>>
        tpu.wait_dma2 semaphore(%arg22 : memref<!tpu.dma_semaphore, #tpu.memory_space<semaphore_mem>>) src(%dma_wait3A_423 : memref<4000xf32, #tpu.memory_space<hbm>>) dst(%arg8 : memref<4000xf32, #tpu.memory_space<vmem>>)
        %convert_element_type3A_424 = arith.extui %lt3A_92 : i1 to i32
        %cond3A_425 = arith.constant 0 : i32
        %cond3A_426 = arith.cmpi ne, %convert_element_type3A_424, %cond3A_425 : i32
        scf.if %cond3A_426 {
          %get3A_438 = arith.constant 0 : index
          %get3A_439 = tpu.vector_load %arg7[%get3A_438] {strides = array<i32>} : memref<4000xi32, #tpu.memory_space<vmem>>, vector<16xi32>,
          %get3A_440 = arith.constant 0 : index
          %get3A_441 = tpu.vector_load %arg8[%get3A_440] {strides = array<i32>} : memref<4000xf32, #tpu.memory_space<vmem>>, vector<16xf32>,
          %gather3A = tpu.vector_load_idx %arg7[%max3A_99] : memref<4000xi32, #tpu.memory_space<vmem>>[vector<16xi32>], vector<16xi32>,
          %get3A_442 = arith.constant 1 : index
          %get3A_443 = tpu.vector_load %arg7[%get3A_442] {strides = array<i32>} : memref<4000xi32, #tpu.memory_space<vmem>>, vector<16xi32>,
          %broadcast_in_dim3A = arith.constant true
          %broadcast_in_dim3A_444 = vector.broadcast %broadcast_in_dim3A : i1 to vector<16xi1>
          %masked_cumsum3A = tpu.scan <sum>, %get3A_441 masked %broadcast_in_dim3A_444 : vector<16xf32>, vector<16xi1> -> vector<16xf32>
          %sub3A_445 = arith.subf %masked_cumsum3A, %get3A_441 : vector<16xf32>
          %ne3A_446 = arith.cmpi ne, %get3A_439, %get3A_443 : vector<16xi32>
          %or3A = arith.ori %ne3A_446, %eq3A_112 : vector<16xi1>
          %ne3A_447 = arith.cmpi ne, %get3A_439, %gather3A : vector<16xi32>
          %or3A_448 = arith.ori %ne3A_447, %eq3A_109 : vector<16xi1>
          %sub3A_449 = vector.broadcast %mul3A_94 : i32 to vector<16xi32>
          %sub3A_450 = arith.subi %get3A_439, %sub3A_449 : vector<16xi32>
          tpu.vector_store_idx %arg19[%sub3A_450], %masked_cumsum3A masked %or3A {add = true} : memref<12544xf32, #tpu.memory_space<vmem>>[vector<16xi32>], vector<16xf32>, vector<16xi1>
          %neg3A = arith.constant 0.000000e+00 : f32
          %neg3A_451 = vector.broadcast %neg3A : f32 to vector<16xf32>
          %neg3A_452 = arith.subf %neg3A_451, %sub3A_445 : vector<16xf32>
          tpu.vector_store_idx %arg19[%sub3A_450], %neg3A_452 masked %or3A_448 {add = true} : memref<12544xf32, #tpu.memory_space<vmem>>[vector<16xi32>], vector<16xf32>, vector<16xi1>
          %scan3A_453 = arith.constant 0 : i32
          %scan3A_454 = arith.constant 62 : i32
          %scan3A_455 = arith.addi %scan3A_453, %scan3A_454 : i32
          %scan3A_456 = arith.constant 1 : i32
          scf.for %scan3A_478 = %scan3A_453 to %scan3A_455 step %scan3A_456  : i32 {
            %mul3A_479 = arith.constant 64 : i32
            %mul3A_480 = arith.muli %mul3A_479, %scan3A_478 : i32
            %add3A_481 = arith.constant 0 : i32
            %add3A_482 = arith.addi %mul3A_480, %add3A_481 : i32
            %add3A_483 = arith.constant 16 : i32
            %add3A_484 = arith.addi %add3A_482, %add3A_483 : i32
            %get3A_485 = arith.index_cast %add3A_484 : i32 to index
            %get3A_486 = tpu.vector_load %arg7[%get3A_485] {strides = array<i32>} : memref<4000xi32, #tpu.memory_space<vmem>>, vector<16xi32>,
            %get3A_487 = arith.index_cast %add3A_484 : i32 to index
            %get3A_488 = tpu.vector_load %arg8[%get3A_487] {strides = array<i32>} : memref<4000xf32, #tpu.memory_space<vmem>>, vector<16xf32>,
            %sub3A_489 = arith.constant 1 : i32
            %sub3A_490 = arith.subi %add3A_484, %sub3A_489 : i32
            %get3A_491 = arith.index_cast %sub3A_490 : i32 to index
            %get3A_492 = tpu.vector_load %arg7[%get3A_491] {strides = array<i32>} : memref<4000xi32, #tpu.memory_space<vmem>>, vector<16xi32>,
            %add3A_493 = arith.constant 1 : i32
            %add3A_494 = arith.addi %add3A_484, %add3A_493 : i32
            %get3A_495 = arith.index_cast %add3A_494 : i32 to index
            %get3A_496 = tpu.vector_load %arg7[%get3A_495] {strides = array<i32>} : memref<4000xi32, #tpu.memory_space<vmem>>, vector<16xi32>,
            %broadcast_in_dim3A_497 = arith.constant true
            %broadcast_in_dim3A_498 = vector.broadcast %broadcast_in_dim3A_497 : i1 to vector<16xi1>
            %masked_cumsum3A_499 = tpu.scan <sum>, %get3A_488 masked %broadcast_in_dim3A_498 : vector<16xf32>, vector<16xi1> -> vector<16xf32>
            %sub3A_500 = arith.subf %masked_cumsum3A_499, %get3A_488 : vector<16xf32>
            %ne3A_501 = arith.cmpi ne, %get3A_486, %get3A_496 : vector<16xi32>
            %or3A_502 = arith.ori %ne3A_501, %eq3A_112 : vector<16xi1>
            %ne3A_503 = arith.cmpi ne, %get3A_486, %get3A_492 : vector<16xi32>
            %or3A_504 = arith.ori %ne3A_503, %eq3A_109 : vector<16xi1>
            %sub3A_505 = vector.broadcast %mul3A_94 : i32 to vector<16xi32>
            %sub3A_506 = arith.subi %get3A_486, %sub3A_505 : vector<16xi32>
            tpu.vector_store_idx %arg19[%sub3A_506], %masked_cumsum3A_499 masked %or3A_502 {add = true} : memref<12544xf32, #tpu.memory_space<vmem>>[vector<16xi32>], vector<16xf32>, vector<16xi1>
            %neg3A_507 = arith.constant 0.000000e+00 : f32
            %neg3A_508 = vector.broadcast %neg3A_507 : f32 to vector<16xf32>
            %neg3A_509 = arith.subf %neg3A_508, %sub3A_500 : vector<16xf32>
            tpu.vector_store_idx %arg19[%sub3A_506], %neg3A_509 masked %or3A_504 {add = true} : memref<12544xf32, #tpu.memory_space<vmem>>[vector<16xi32>], vector<16xf32>, vector<16xi1>
            %mul3A_510 = arith.constant 64 : i32
            %mul3A_511 = arith.muli %mul3A_510, %scan3A_478 : i32
            %add3A_512 = arith.constant 16 : i32
            %add3A_513 = arith.addi %mul3A_511, %add3A_512 : i32
            %add3A_514 = arith.constant 16 : i32
            %add3A_515 = arith.addi %add3A_513, %add3A_514 : i32
            %get3A_516 = arith.index_cast %add3A_515 : i32 to index
            %get3A_517 = tpu.vector_load %arg7[%get3A_516] {strides = array<i32>} : memref<4000xi32, #tpu.memory_space<vmem>>, vector<16xi32>,
            %get3A_518 = arith.index_cast %add3A_515 : i32 to index
            %get3A_519 = tpu.vector_load %arg8[%get3A_518] {strides = array<i32>} : memref<4000xf32, #tpu.memory_space<vmem>>, vector<16xf32>,
            %sub3A_520 = arith.constant 1 : i32
            %sub3A_521 = arith.subi %add3A_515, %sub3A_520 : i32
            %get3A_522 = arith.index_cast %sub3A_521 : i32 to index
            %get3A_523 = tpu.vector_load %arg7[%get3A_522] {strides = array<i32>} : memref<4000xi32, #tpu.memory_space<vmem>>, vector<16xi32>,
            %add3A_524 = arith.constant 1 : i32
            %add3A_525 = arith.addi %add3A_515, %add3A_524 : i32
            %get3A_526 = arith.index_cast %add3A_525 : i32 to index
            %get3A_527 = tpu.vector_load %arg7[%get3A_526] {strides = array<i32>} : memref<4000xi32, #tpu.memory_space<vmem>>, vector<16xi32>,
            %broadcast_in_dim3A_528 = arith.constant true
            %broadcast_in_dim3A_529 = vector.broadcast %broadcast_in_dim3A_528 : i1 to vector<16xi1>
            %masked_cumsum3A_530 = tpu.scan <sum>, %get3A_519 masked %broadcast_in_dim3A_529 : vector<16xf32>, vector<16xi1> -> vector<16xf32>
            %sub3A_531 = arith.subf %masked_cumsum3A_530, %get3A_519 : vector<16xf32>
            %ne3A_532 = arith.cmpi ne, %get3A_517, %get3A_527 : vector<16xi32>
            %or3A_533 = arith.ori %ne3A_532, %eq3A_112 : vector<16xi1>
            %ne3A_534 = arith.cmpi ne, %get3A_517, %get3A_523 : vector<16xi32>
            %or3A_535 = arith.ori %ne3A_534, %eq3A_109 : vector<16xi1>
            %sub3A_536 = vector.broadcast %mul3A_94 : i32 to vector<16xi32>
            %sub3A_537 = arith.subi %get3A_517, %sub3A_536 : vector<16xi32>
            tpu.vector_store_idx %arg19[%sub3A_537], %masked_cumsum3A_530 masked %or3A_533 {add = true} : memref<12544xf32, #tpu.memory_space<vmem>>[vector<16xi32>], vector<16xf32>, vector<16xi1>
            %neg3A_538 = arith.constant 0.000000e+00 : f32
            %neg3A_539 = vector.broadcast %neg3A_538 : f32 to vector<16xf32>
            %neg3A_540 = arith.subf %neg3A_539, %sub3A_531 : vector<16xf32>
            tpu.vector_store_idx %arg19[%sub3A_537], %neg3A_540 masked %or3A_535 {add = true} : memref<12544xf32, #tpu.memory_space<vmem>>[vector<16xi32>], vector<16xf32>, vector<16xi1>
            %mul3A_541 = arith.constant 64 : i32
            %mul3A_542 = arith.muli %mul3A_541, %scan3A_478 : i32
            %add3A_543 = arith.constant 32 : i32
            %add3A_544 = arith.addi %mul3A_542, %add3A_543 : i32
            %add3A_545 = arith.constant 16 : i32
            %add3A_546 = arith.addi %add3A_544, %add3A_545 : i32
            %get3A_547 = arith.index_cast %add3A_546 : i32 to index
            %get3A_548 = tpu.vector_load %arg7[%get3A_547] {strides = array<i32>} : memref<4000xi32, #tpu.memory_space<vmem>>, vector<16xi32>,
            %get3A_549 = arith.index_cast %add3A_546 : i32 to index
            %get3A_550 = tpu.vector_load %arg8[%get3A_549] {strides = array<i32>} : memref<4000xf32, #tpu.memory_space<vmem>>, vector<16xf32>,
            %sub3A_551 = arith.constant 1 : i32
            %sub3A_552 = arith.subi %add3A_546, %sub3A_551 : i32
            %get3A_553 = arith.index_cast %sub3A_552 : i32 to index
            %get3A_554 = tpu.vector_load %arg7[%get3A_553] {strides = array<i32>} : memref<4000xi32, #tpu.memory_space<vmem>>, vector<16xi32>,
            %add3A_555 = arith.constant 1 : i32
            %add3A_556 = arith.addi %add3A_546, %add3A_555 : i32
            %get3A_557 = arith.index_cast %add3A_556 : i32 to index
            %get3A_558 = tpu.vector_load %arg7[%get3A_557] {strides = array<i32>} : memref<4000xi32, #tpu.memory_space<vmem>>, vector<16xi32>,
            %broadcast_in_dim3A_559 = arith.constant true
            %broadcast_in_dim3A_560 = vector.broadcast %broadcast_in_dim3A_559 : i1 to vector<16xi1>
            %masked_cumsum3A_561 = tpu.scan <sum>, %get3A_550 masked %broadcast_in_dim3A_560 : vector<16xf32>, vector<16xi1> -> vector<16xf32>
            %sub3A_562 = arith.subf %masked_cumsum3A_561, %get3A_550 : vector<16xf32>
            %ne3A_563 = arith.cmpi ne, %get3A_548, %get3A_558 : vector<16xi32>
            %or3A_564 = arith.ori %ne3A_563, %eq3A_112 : vector<16xi1>
            %ne3A_565 = arith.cmpi ne, %get3A_548, %get3A_554 : vector<16xi32>
            %or3A_566 = arith.ori %ne3A_565, %eq3A_109 : vector<16xi1>
            %sub3A_567 = vector.broadcast %mul3A_94 : i32 to vector<16xi32>
            %sub3A_568 = arith.subi %get3A_548, %sub3A_567 : vector<16xi32>
            tpu.vector_store_idx %arg19[%sub3A_568], %masked_cumsum3A_561 masked %or3A_564 {add = true} : memref<12544xf32, #tpu.memory_space<vmem>>[vector<16xi32>], vector<16xf32>, vector<16xi1>
            %neg3A_569 = arith.constant 0.000000e+00 : f32
            %neg3A_570 = vector.broadcast %neg3A_569 : f32 to vector<16xf32>
            %neg3A_571 = arith.subf %neg3A_570, %sub3A_562 : vector<16xf32>
            tpu.vector_store_idx %arg19[%sub3A_568], %neg3A_571 masked %or3A_566 {add = true} : memref<12544xf32, #tpu.memory_space<vmem>>[vector<16xi32>], vector<16xf32>, vector<16xi1>
            %mul3A_572 = arith.constant 64 : i32
            %mul3A_573 = arith.muli %mul3A_572, %scan3A_478 : i32
            %add3A_574 = arith.constant 48 : i32
            %add3A_575 = arith.addi %mul3A_573, %add3A_574 : i32
            %add3A_576 = arith.constant 16 : i32
            %add3A_577 = arith.addi %add3A_575, %add3A_576 : i32
            %get3A_578 = arith.index_cast %add3A_577 : i32 to index
            %get3A_579 = tpu.vector_load %arg7[%get3A_578] {strides = array<i32>} : memref<4000xi32, #tpu.memory_space<vmem>>, vector<16xi32>,
            %get3A_580 = arith.index_cast %add3A_577 : i32 to index
            %get3A_581 = tpu.vector_load %arg8[%get3A_580] {strides = array<i32>} : memref<4000xf32, #tpu.memory_space<vmem>>, vector<16xf32>,
            %sub3A_582 = arith.constant 1 : i32
            %sub3A_583 = arith.subi %add3A_577, %sub3A_582 : i32
            %get3A_584 = arith.index_cast %sub3A_583 : i32 to index
            %get3A_585 = tpu.vector_load %arg7[%get3A_584] {strides = array<i32>} : memref<4000xi32, #tpu.memory_space<vmem>>, vector<16xi32>,
            %add3A_586 = arith.constant 1 : i32
            %add3A_587 = arith.addi %add3A_577, %add3A_586 : i32
            %get3A_588 = arith.index_cast %add3A_587 : i32 to index
            %get3A_589 = tpu.vector_load %arg7[%get3A_588] {strides = array<i32>} : memref<4000xi32, #tpu.memory_space<vmem>>, vector<16xi32>,
            %broadcast_in_dim3A_590 = arith.constant true
            %broadcast_in_dim3A_591 = vector.broadcast %broadcast_in_dim3A_590 : i1 to vector<16xi1>
            %masked_cumsum3A_592 = tpu.scan <sum>, %get3A_581 masked %broadcast_in_dim3A_591 : vector<16xf32>, vector<16xi1> -> vector<16xf32>
            %sub3A_593 = arith.subf %masked_cumsum3A_592, %get3A_581 : vector<16xf32>
            %ne3A_594 = arith.cmpi ne, %get3A_579, %get3A_589 : vector<16xi32>
            %or3A_595 = arith.ori %ne3A_594, %eq3A_112 : vector<16xi1>
            %ne3A_596 = arith.cmpi ne, %get3A_579, %get3A_585 : vector<16xi32>
            %or3A_597 = arith.ori %ne3A_596, %eq3A_109 : vector<16xi1>
            %sub3A_598 = vector.broadcast %mul3A_94 : i32 to vector<16xi32>
            %sub3A_599 = arith.subi %get3A_579, %sub3A_598 : vector<16xi32>
            tpu.vector_store_idx %arg19[%sub3A_599], %masked_cumsum3A_592 masked %or3A_595 {add = true} : memref<12544xf32, #tpu.memory_space<vmem>>[vector<16xi32>], vector<16xf32>, vector<16xi1>
            %neg3A_600 = arith.constant 0.000000e+00 : f32
            %neg3A_601 = vector.broadcast %neg3A_600 : f32 to vector<16xf32>
            %neg3A_602 = arith.subf %neg3A_601, %sub3A_593 : vector<16xf32>
            tpu.vector_store_idx %arg19[%sub3A_599], %neg3A_602 masked %or3A_597 {add = true} : memref<12544xf32, #tpu.memory_space<vmem>>[vector<16xi32>], vector<16xf32>, vector<16xi1>
          }
          %scan3A_457 = arith.constant 62 : i32
          %get3A_458 = arith.constant 3984 : index
          %get3A_459 = tpu.vector_load %arg7[%get3A_458] {strides = array<i32>} : memref<4000xi32, #tpu.memory_space<vmem>>, vector<16xi32>,
          %get3A_460 = arith.constant 3984 : index
          %get3A_461 = tpu.vector_load %arg8[%get3A_460] {strides = array<i32>} : memref<4000xf32, #tpu.memory_space<vmem>>, vector<16xf32>,
          %get3A_462 = arith.constant 3983 : index
          %get3A_463 = tpu.vector_load %arg7[%get3A_462] {strides = array<i32>} : memref<4000xi32, #tpu.memory_space<vmem>>, vector<16xi32>,
          %gather3A_464 = tpu.vector_load_idx %arg7[%min3A_107] : memref<4000xi32, #tpu.memory_space<vmem>>[vector<16xi32>], vector<16xi32>,
          %broadcast_in_dim3A_465 = arith.constant true
          %broadcast_in_dim3A_466 = vector.broadcast %broadcast_in_dim3A_465 : i1 to vector<16xi1>
          %masked_cumsum3A_467 = tpu.scan <sum>, %get3A_461 masked %broadcast_in_dim3A_466 : vector<16xf32>, vector<16xi1> -> vector<16xf32>
          %sub3A_468 = arith.subf %masked_cumsum3A_467, %get3A_461 : vector<16xf32>
          %ne3A_469 = arith.cmpi ne, %get3A_459, %gather3A_464 : vector<16xi32>
          %or3A_470 = arith.ori %ne3A_469, %eq3A_112 : vector<16xi1>
          %ne3A_471 = arith.cmpi ne, %get3A_459, %get3A_463 : vector<16xi32>
          %or3A_472 = arith.ori %ne3A_471, %eq3A_109 : vector<16xi1>
          %sub3A_473 = vector.broadcast %mul3A_94 : i32 to vector<16xi32>
          %sub3A_474 = arith.subi %get3A_459, %sub3A_473 : vector<16xi32>
          tpu.vector_store_idx %arg19[%sub3A_474], %masked_cumsum3A_467 masked %or3A_470 {add = true} : memref<12544xf32, #tpu.memory_space<vmem>>[vector<16xi32>], vector<16xf32>, vector<16xi1>
          %neg3A_475 = arith.constant 0.000000e+00 : f32
          %neg3A_476 = vector.broadcast %neg3A_475 : f32 to vector<16xf32>
          %neg3A_477 = arith.subf %neg3A_476, %sub3A_468 : vector<16xf32>
          tpu.vector_store_idx %arg19[%sub3A_474], %neg3A_477 masked %or3A_472 {add = true} : memref<12544xf32, #tpu.memory_space<vmem>>[vector<16xi32>], vector<16xf32>, vector<16xi1>
        } else {
        }
        %not3A = arith.constant true
        %not3A_427 = arith.xori %lt3A_92, %not3A : i1
        %convert_element_type3A_428 = arith.extui %not3A_427 : i1 to i32
        %cond3A_429 = arith.constant 0 : i32
        %cond3A_430 = arith.cmpi ne, %convert_element_type3A_428, %cond3A_429 : i32
        scf.if %cond3A_430 {
          "tpu.region"() ({
            %run_scoped3A = tpu.sem_alloc : memref<!tpu.dma_semaphore, #tpu.memory_space<semaphore_mem>>
            %dma_start3A_438 = arith.constant 0 : i32
            %dma_start3A_439 = tpu.memref_slice %arg20[%dma_start3A_438] : memref<100352xf32, #tpu.memory_space<vmem_shared>> -> memref<100352xf32, #tpu.memory_space<vmem_shared>>
            tpu.enqueue_indirect_dma source(%arg8 : memref<4000xf32, #tpu.memory_space<vmem>>) target(%dma_start3A_439 : memref<100352xf32, #tpu.memory_space<vmem_shared>>) offsets(%arg7 : memref<4000xi32, #tpu.memory_space<vmem>>) semaphore(%run_scoped3A : memref<!tpu.dma_semaphore, #tpu.memory_space<semaphore_mem>>) {add = true}
            %dma_wait3A_440 = arith.constant 0 : i32
            %dma_wait3A_441 = tpu.memref_slice %arg20[%dma_wait3A_440] : memref<100352xf32, #tpu.memory_space<vmem_shared>> -> memref<100352xf32, #tpu.memory_space<vmem_shared>>
            tpu.wait_indirect_dma semaphore(%run_scoped3A : memref<!tpu.dma_semaphore, #tpu.memory_space<semaphore_mem>>) src(%arg8 : memref<4000xf32, #tpu.memory_space<vmem>>) dst(%dma_wait3A_441 : memref<100352xf32, #tpu.memory_space<vmem_shared>>)
            tpu.yield
          }) : () -> ()
        } else {
        }
        %add3A_431 = arith.constant 2 : i32
        %add3A_432 = arith.addi %scan3A_159, %add3A_431 : i32
        %lt3A_433 = arith.constant 26 : i32
        %lt3A_434 = arith.cmpi slt, %add3A_432, %lt3A_433 : i32
        %convert_element_type3A_435 = arith.extui %lt3A_434 : i1 to i32
        %cond3A_436 = arith.constant 0 : i32
        %cond3A_437 = arith.cmpi ne, %convert_element_type3A_435, %cond3A_436 : i32
        scf.if %cond3A_437 {
          %add3A_438 = arith.constant 24 : i32
          %add3A_439 = arith.addi %add3A_438, %scan3A_159 : i32
          %add3A_440 = arith.constant 2 : i32
          %add3A_441 = arith.addi %add3A_439, %add3A_440 : i32
          %mul3A_442 = arith.constant 200000 : i32
          %mul3A_443 = arith.muli %add3A, %mul3A_442 : i32
          %mul3A_444 = arith.constant 4000 : i32
          %mul3A_445 = arith.muli %add3A_441, %mul3A_444 : i32
          %add3A_446 = arith.addi %mul3A_443, %mul3A_445 : i32
          %dma_start3A_447 = tpu.memref_slice %arg2[%add3A_446] : memref<6400000xi32, #tpu.memory_space<hbm>> -> memref<4000xi32, #tpu.memory_space<hbm>>
          %dma_start3A_448 = tpu.memref_slice %arg2[%add3A_446] : memref<6400000xi32, #tpu.memory_space<hbm>> -> memref<4000xi32, #tpu.memory_space<hbm>>
          tpu.enqueue_dma source(%dma_start3A_448 : memref<4000xi32, #tpu.memory_space<hbm>>) target(%arg7 : memref<4000xi32, #tpu.memory_space<vmem>>) target_semaphore(%arg22 : memref<!tpu.dma_semaphore, #tpu.memory_space<semaphore_mem>>)
          %dma_start3A_449 = tpu.memref_slice %arg3[%add3A_446] : memref<6400000xf32, #tpu.memory_space<hbm>> -> memref<4000xf32, #tpu.memory_space<hbm>>
          %dma_start3A_450 = tpu.memref_slice %arg3[%add3A_446] : memref<6400000xf32, #tpu.memory_space<hbm>> -> memref<4000xf32, #tpu.memory_space<hbm>>
          tpu.enqueue_dma source(%dma_start3A_450 : memref<4000xf32, #tpu.memory_space<hbm>>) target(%arg8 : memref<4000xf32, #tpu.memory_space<vmem>>) target_semaphore(%arg22 : memref<!tpu.dma_semaphore, #tpu.memory_space<semaphore_mem>>)
        } else {
        }
      } else {
      }
      %lt3A_208 = arith.constant 24 : i32
      %lt3A_209 = arith.cmpi slt, %scan3A_159, %lt3A_208 : i32
      %jit3A_210 = arith.constant 4 : i32
      %eq3A_211 = arith.constant 0 : i32
      %eq3A_212 = arith.cmpi eq, %jit3A_210, %eq3A_211 : i32
      %jit3A_213 = arith.constant 1 : i32
      %select_n3A_214 = arith.select %eq3A_212, %jit3A_213, %jit3A_210 : i32
      %rem3A_215 = arith.remsi %scan3A_159, %select_n3A_214 : i32
      %ne3A_216 = arith.constant 0 : i32
      %ne3A_217 = arith.cmpi ne, %rem3A_215, %ne3A_216 : i32
      %lt3A_218 = arith.constant 0 : i32
      %lt3A_219 = arith.cmpi slt, %rem3A_215, %lt3A_218 : i32
      %lt3A_220 = arith.constant 0 : i32
      %lt3A_221 = arith.cmpi slt, %select_n3A_214, %lt3A_220 : i32
      %ne3A_222 = arith.xori %lt3A_219, %lt3A_221 : i1
      %and3A_223 = arith.andi %ne3A_222, %ne3A_217 : i1
      %add3A_224 = arith.addi %rem3A_215, %select_n3A_214 : i32
      %select_n3A_225 = arith.select %and3A_223, %add3A_224, %rem3A_215 : i32
      %eq3A_226 = arith.constant 0 : i32
      %eq3A_227 = arith.cmpi eq, %select_n3A_225, %eq3A_226 : i32
      %and3A_228 = arith.andi %lt3A_209, %eq3A_227 : i1
      %convert_element_type3A_229 = arith.extui %and3A_228 : i1 to i32
      %cond3A_230 = arith.constant 0 : i32
      %cond3A_231 = arith.cmpi ne, %convert_element_type3A_229, %cond3A_230 : i32
      scf.if %cond3A_231 {
        %dma_wait3A_416 = arith.constant 0 : i32
        %dma_wait3A_417 = tpu.memref_slice %arg2[%dma_wait3A_416] : memref<6400000xi32, #tpu.memory_space<hbm>> -> memref<4000xi32, #tpu.memory_space<hbm>>
        %dma_wait3A_418 = arith.constant 0 : i32
        %dma_wait3A_419 = tpu.memref_slice %arg2[%dma_wait3A_418] : memref<6400000xi32, #tpu.memory_space<hbm>> -> memref<4000xi32, #tpu.memory_space<hbm>>
        tpu.wait_dma2 semaphore(%arg23 : memref<!tpu.dma_semaphore, #tpu.memory_space<semaphore_mem>>) src(%dma_wait3A_419 : memref<4000xi32, #tpu.memory_space<hbm>>) dst(%arg9 : memref<4000xi32, #tpu.memory_space<vmem>>)
        %dma_wait3A_420 = arith.constant 0 : i32
        %dma_wait3A_421 = tpu.memref_slice %arg3[%dma_wait3A_420] : memref<6400000xf32, #tpu.memory_space<hbm>> -> memref<4000xf32, #tpu.memory_space<hbm>>
        %dma_wait3A_422 = arith.constant 0 : i32
        %dma_wait3A_423 = tpu.memref_slice %arg3[%dma_wait3A_422] : memref<6400000xf32, #tpu.memory_space<hbm>> -> memref<4000xf32, #tpu.memory_space<hbm>>
        tpu.wait_dma2 semaphore(%arg23 : memref<!tpu.dma_semaphore, #tpu.memory_space<semaphore_mem>>) src(%dma_wait3A_423 : memref<4000xf32, #tpu.memory_space<hbm>>) dst(%arg10 : memref<4000xf32, #tpu.memory_space<vmem>>)
        %dma_start3A_424 = arith.constant 0 : i32
        %dma_start3A_425 = tpu.memref_slice %arg20[%dma_start3A_424] : memref<100352xf32, #tpu.memory_space<vmem_shared>> -> memref<100352xf32, #tpu.memory_space<vmem_shared>>
        tpu.enqueue_indirect_dma source(%arg10 : memref<4000xf32, #tpu.memory_space<vmem>>) target(%dma_start3A_425 : memref<100352xf32, #tpu.memory_space<vmem_shared>>) offsets(%arg9 : memref<4000xi32, #tpu.memory_space<vmem>>) semaphore(%arg27 : memref<!tpu.dma_semaphore, #tpu.memory_space<semaphore_mem>>) {add = true}
      } else {
      }
      %add3A_232 = arith.constant 2 : i32
      %add3A_233 = arith.addi %scan3A_159, %add3A_232 : i32
      %lt3A_234 = arith.constant 24 : i32
      %lt3A_235 = arith.cmpi slt, %add3A_233, %lt3A_234 : i32
      %add3A_236 = arith.constant 2 : i32
      %add3A_237 = arith.addi %scan3A_159, %add3A_236 : i32
      %jit3A_238 = arith.constant 4 : i32
      %eq3A_239 = arith.constant 0 : i32
      %eq3A_240 = arith.cmpi eq, %jit3A_238, %eq3A_239 : i32
      %jit3A_241 = arith.constant 1 : i32
      %select_n3A_242 = arith.select %eq3A_240, %jit3A_241, %jit3A_238 : i32
      %rem3A_243 = arith.remsi %add3A_237, %select_n3A_242 : i32
      %ne3A_244 = arith.constant 0 : i32
      %ne3A_245 = arith.cmpi ne, %rem3A_243, %ne3A_244 : i32
      %lt3A_246 = arith.constant 0 : i32
      %lt3A_247 = arith.cmpi slt, %rem3A_243, %lt3A_246 : i32
      %lt3A_248 = arith.constant 0 : i32
      %lt3A_249 = arith.cmpi slt, %select_n3A_242, %lt3A_248 : i32
      %ne3A_250 = arith.xori %lt3A_247, %lt3A_249 : i1
      %and3A_251 = arith.andi %ne3A_250, %ne3A_245 : i1
      %add3A_252 = arith.addi %rem3A_243, %select_n3A_242 : i32
      %select_n3A_253 = arith.select %and3A_251, %add3A_252, %rem3A_243 : i32
      %eq3A_254 = arith.constant 0 : i32
      %eq3A_255 = arith.cmpi eq, %select_n3A_253, %eq3A_254 : i32
      %and3A_256 = arith.andi %lt3A_235, %eq3A_255 : i1
      %convert_element_type3A_257 = arith.extui %and3A_256 : i1 to i32
      %cond3A_258 = arith.constant 0 : i32
      %cond3A_259 = arith.cmpi ne, %convert_element_type3A_257, %cond3A_258 : i32
      scf.if %cond3A_259 {
        %ge3A = arith.constant 2 : i32
        %ge3A_416 = arith.cmpi sge, %scan3A_159, %ge3A : i32
        %convert_element_type3A_417 = arith.extui %ge3A_416 : i1 to i32
        %cond3A_418 = arith.constant 0 : i32
        %cond3A_419 = arith.cmpi ne, %convert_element_type3A_417, %cond3A_418 : i32
        scf.if %cond3A_419 {
          %dma_wait3A_431 = arith.constant 0 : i32
          %dma_wait3A_432 = tpu.memref_slice %arg20[%dma_wait3A_431] : memref<100352xf32, #tpu.memory_space<vmem_shared>> -> memref<100352xf32, #tpu.memory_space<vmem_shared>>
          tpu.wait_indirect_dma semaphore(%arg27 : memref<!tpu.dma_semaphore, #tpu.memory_space<semaphore_mem>>) src(%arg10 : memref<4000xf32, #tpu.memory_space<vmem>>) dst(%dma_wait3A_432 : memref<100352xf32, #tpu.memory_space<vmem_shared>>)
        } else {
        }
        %add3A_420 = arith.constant 2 : i32
        %add3A_421 = arith.addi %scan3A_159, %add3A_420 : i32
        %mul3A_422 = arith.constant 200000 : i32
        %mul3A_423 = arith.muli %add3A, %mul3A_422 : i32
        %mul3A_424 = arith.constant 4000 : i32
        %mul3A_425 = arith.muli %add3A_421, %mul3A_424 : i32
        %add3A_426 = arith.addi %mul3A_423, %mul3A_425 : i32
        %dma_start3A_427 = tpu.memref_slice %arg2[%add3A_426] : memref<6400000xi32, #tpu.memory_space<hbm>> -> memref<4000xi32, #tpu.memory_space<hbm>>
        %dma_start3A_428 = tpu.memref_slice %arg2[%add3A_426] : memref<6400000xi32, #tpu.memory_space<hbm>> -> memref<4000xi32, #tpu.memory_space<hbm>>
        tpu.enqueue_dma source(%dma_start3A_428 : memref<4000xi32, #tpu.memory_space<hbm>>) target(%arg9 : memref<4000xi32, #tpu.memory_space<vmem>>) target_semaphore(%arg23 : memref<!tpu.dma_semaphore, #tpu.memory_space<semaphore_mem>>)
        %dma_start3A_429 = tpu.memref_slice %arg3[%add3A_426] : memref<6400000xf32, #tpu.memory_space<hbm>> -> memref<4000xf32, #tpu.memory_space<hbm>>
        %dma_start3A_430 = tpu.memref_slice %arg3[%add3A_426] : memref<6400000xf32, #tpu.memory_space<hbm>> -> memref<4000xf32, #tpu.memory_space<hbm>>
        tpu.enqueue_dma source(%dma_start3A_430 : memref<4000xf32, #tpu.memory_space<hbm>>) target(%arg10 : memref<4000xf32, #tpu.memory_space<vmem>>) target_semaphore(%arg23 : memref<!tpu.dma_semaphore, #tpu.memory_space<semaphore_mem>>)
      } else {
      }
      %lt3A_260 = arith.constant 24 : i32
      %lt3A_261 = arith.cmpi slt, %scan3A_159, %lt3A_260 : i32
      %jit3A_262 = arith.constant 4 : i32
      %eq3A_263 = arith.constant 0 : i32
      %eq3A_264 = arith.cmpi eq, %jit3A_262, %eq3A_263 : i32
      %jit3A_265 = arith.constant 1 : i32
      %select_n3A_266 = arith.select %eq3A_264, %jit3A_265, %jit3A_262 : i32
      %rem3A_267 = arith.remsi %scan3A_159, %select_n3A_266 : i32
      %ne3A_268 = arith.constant 0 : i32
      %ne3A_269 = arith.cmpi ne, %rem3A_267, %ne3A_268 : i32
      %lt3A_270 = arith.constant 0 : i32
      %lt3A_271 = arith.cmpi slt, %rem3A_267, %lt3A_270 : i32
      %lt3A_272 = arith.constant 0 : i32
      %lt3A_273 = arith.cmpi slt, %select_n3A_266, %lt3A_272 : i32
      %ne3A_274 = arith.xori %lt3A_271, %lt3A_273 : i1
      %and3A_275 = arith.andi %ne3A_274, %ne3A_269 : i1
      %add3A_276 = arith.addi %rem3A_267, %select_n3A_266 : i32
      %select_n3A_277 = arith.select %and3A_275, %add3A_276, %rem3A_267 : i32
      %eq3A_278 = arith.constant 1 : i32
      %eq3A_279 = arith.cmpi eq, %select_n3A_277, %eq3A_278 : i32
      %and3A_280 = arith.andi %lt3A_261, %eq3A_279 : i1
      %convert_element_type3A_281 = arith.extui %and3A_280 : i1 to i32
      %cond3A_282 = arith.constant 0 : i32
      %cond3A_283 = arith.cmpi ne, %convert_element_type3A_281, %cond3A_282 : i32
      scf.if %cond3A_283 {
        %dma_wait3A_416 = arith.constant 0 : i32
        %dma_wait3A_417 = tpu.memref_slice %arg2[%dma_wait3A_416] : memref<6400000xi32, #tpu.memory_space<hbm>> -> memref<4000xi32, #tpu.memory_space<hbm>>
        %dma_wait3A_418 = arith.constant 0 : i32
        %dma_wait3A_419 = tpu.memref_slice %arg2[%dma_wait3A_418] : memref<6400000xi32, #tpu.memory_space<hbm>> -> memref<4000xi32, #tpu.memory_space<hbm>>
        tpu.wait_dma2 semaphore(%arg24 : memref<!tpu.dma_semaphore, #tpu.memory_space<semaphore_mem>>) src(%dma_wait3A_419 : memref<4000xi32, #tpu.memory_space<hbm>>) dst(%arg11 : memref<4000xi32, #tpu.memory_space<vmem>>)
        %dma_wait3A_420 = arith.constant 0 : i32
        %dma_wait3A_421 = tpu.memref_slice %arg3[%dma_wait3A_420] : memref<6400000xf32, #tpu.memory_space<hbm>> -> memref<4000xf32, #tpu.memory_space<hbm>>
        %dma_wait3A_422 = arith.constant 0 : i32
        %dma_wait3A_423 = tpu.memref_slice %arg3[%dma_wait3A_422] : memref<6400000xf32, #tpu.memory_space<hbm>> -> memref<4000xf32, #tpu.memory_space<hbm>>
        tpu.wait_dma2 semaphore(%arg24 : memref<!tpu.dma_semaphore, #tpu.memory_space<semaphore_mem>>) src(%dma_wait3A_423 : memref<4000xf32, #tpu.memory_space<hbm>>) dst(%arg12 : memref<4000xf32, #tpu.memory_space<vmem>>)
        %dma_start3A_424 = arith.constant 0 : i32
        %dma_start3A_425 = tpu.memref_slice %arg20[%dma_start3A_424] : memref<100352xf32, #tpu.memory_space<vmem_shared>> -> memref<100352xf32, #tpu.memory_space<vmem_shared>>
        tpu.enqueue_indirect_dma source(%arg12 : memref<4000xf32, #tpu.memory_space<vmem>>) target(%dma_start3A_425 : memref<100352xf32, #tpu.memory_space<vmem_shared>>) offsets(%arg11 : memref<4000xi32, #tpu.memory_space<vmem>>) semaphore(%arg28 : memref<!tpu.dma_semaphore, #tpu.memory_space<semaphore_mem>>) {add = true}
      } else {
      }
      %add3A_284 = arith.constant 2 : i32
      %add3A_285 = arith.addi %scan3A_159, %add3A_284 : i32
      %lt3A_286 = arith.constant 24 : i32
      %lt3A_287 = arith.cmpi slt, %add3A_285, %lt3A_286 : i32
      %add3A_288 = arith.constant 2 : i32
      %add3A_289 = arith.addi %scan3A_159, %add3A_288 : i32
      %jit3A_290 = arith.constant 4 : i32
      %eq3A_291 = arith.constant 0 : i32
      %eq3A_292 = arith.cmpi eq, %jit3A_290, %eq3A_291 : i32
      %jit3A_293 = arith.constant 1 : i32
      %select_n3A_294 = arith.select %eq3A_292, %jit3A_293, %jit3A_290 : i32
      %rem3A_295 = arith.remsi %add3A_289, %select_n3A_294 : i32
      %ne3A_296 = arith.constant 0 : i32
      %ne3A_297 = arith.cmpi ne, %rem3A_295, %ne3A_296 : i32
      %lt3A_298 = arith.constant 0 : i32
      %lt3A_299 = arith.cmpi slt, %rem3A_295, %lt3A_298 : i32
      %lt3A_300 = arith.constant 0 : i32
      %lt3A_301 = arith.cmpi slt, %select_n3A_294, %lt3A_300 : i32
      %ne3A_302 = arith.xori %lt3A_299, %lt3A_301 : i1
      %and3A_303 = arith.andi %ne3A_302, %ne3A_297 : i1
      %add3A_304 = arith.addi %rem3A_295, %select_n3A_294 : i32
      %select_n3A_305 = arith.select %and3A_303, %add3A_304, %rem3A_295 : i32
      %eq3A_306 = arith.constant 1 : i32
      %eq3A_307 = arith.cmpi eq, %select_n3A_305, %eq3A_306 : i32
      %and3A_308 = arith.andi %lt3A_287, %eq3A_307 : i1
      %convert_element_type3A_309 = arith.extui %and3A_308 : i1 to i32
      %cond3A_310 = arith.constant 0 : i32
      %cond3A_311 = arith.cmpi ne, %convert_element_type3A_309, %cond3A_310 : i32
      scf.if %cond3A_311 {
        %ge3A = arith.constant 2 : i32
        %ge3A_416 = arith.cmpi sge, %scan3A_159, %ge3A : i32
        %convert_element_type3A_417 = arith.extui %ge3A_416 : i1 to i32
        %cond3A_418 = arith.constant 0 : i32
        %cond3A_419 = arith.cmpi ne, %convert_element_type3A_417, %cond3A_418 : i32
        scf.if %cond3A_419 {
          %dma_wait3A_431 = arith.constant 0 : i32
          %dma_wait3A_432 = tpu.memref_slice %arg20[%dma_wait3A_431] : memref<100352xf32, #tpu.memory_space<vmem_shared>> -> memref<100352xf32, #tpu.memory_space<vmem_shared>>
          tpu.wait_indirect_dma semaphore(%arg28 : memref<!tpu.dma_semaphore, #tpu.memory_space<semaphore_mem>>) src(%arg12 : memref<4000xf32, #tpu.memory_space<vmem>>) dst(%dma_wait3A_432 : memref<100352xf32, #tpu.memory_space<vmem_shared>>)
        } else {
        }
        %add3A_420 = arith.constant 2 : i32
        %add3A_421 = arith.addi %scan3A_159, %add3A_420 : i32
        %mul3A_422 = arith.constant 200000 : i32
        %mul3A_423 = arith.muli %add3A, %mul3A_422 : i32
        %mul3A_424 = arith.constant 4000 : i32
        %mul3A_425 = arith.muli %add3A_421, %mul3A_424 : i32
        %add3A_426 = arith.addi %mul3A_423, %mul3A_425 : i32
        %dma_start3A_427 = tpu.memref_slice %arg2[%add3A_426] : memref<6400000xi32, #tpu.memory_space<hbm>> -> memref<4000xi32, #tpu.memory_space<hbm>>
        %dma_start3A_428 = tpu.memref_slice %arg2[%add3A_426] : memref<6400000xi32, #tpu.memory_space<hbm>> -> memref<4000xi32, #tpu.memory_space<hbm>>
        tpu.enqueue_dma source(%dma_start3A_428 : memref<4000xi32, #tpu.memory_space<hbm>>) target(%arg11 : memref<4000xi32, #tpu.memory_space<vmem>>) target_semaphore(%arg24 : memref<!tpu.dma_semaphore, #tpu.memory_space<semaphore_mem>>)
        %dma_start3A_429 = tpu.memref_slice %arg3[%add3A_426] : memref<6400000xf32, #tpu.memory_space<hbm>> -> memref<4000xf32, #tpu.memory_space<hbm>>
        %dma_start3A_430 = tpu.memref_slice %arg3[%add3A_426] : memref<6400000xf32, #tpu.memory_space<hbm>> -> memref<4000xf32, #tpu.memory_space<hbm>>
        tpu.enqueue_dma source(%dma_start3A_430 : memref<4000xf32, #tpu.memory_space<hbm>>) target(%arg12 : memref<4000xf32, #tpu.memory_space<vmem>>) target_semaphore(%arg24 : memref<!tpu.dma_semaphore, #tpu.memory_space<semaphore_mem>>)
      } else {
      }
      %lt3A_312 = arith.constant 24 : i32
      %lt3A_313 = arith.cmpi slt, %scan3A_159, %lt3A_312 : i32
      %jit3A_314 = arith.constant 4 : i32
      %eq3A_315 = arith.constant 0 : i32
      %eq3A_316 = arith.cmpi eq, %jit3A_314, %eq3A_315 : i32
      %jit3A_317 = arith.constant 1 : i32
      %select_n3A_318 = arith.select %eq3A_316, %jit3A_317, %jit3A_314 : i32
      %rem3A_319 = arith.remsi %scan3A_159, %select_n3A_318 : i32
      %ne3A_320 = arith.constant 0 : i32
      %ne3A_321 = arith.cmpi ne, %rem3A_319, %ne3A_320 : i32
      %lt3A_322 = arith.constant 0 : i32
      %lt3A_323 = arith.cmpi slt, %rem3A_319, %lt3A_322 : i32
      %lt3A_324 = arith.constant 0 : i32
      %lt3A_325 = arith.cmpi slt, %select_n3A_318, %lt3A_324 : i32
      %ne3A_326 = arith.xori %lt3A_323, %lt3A_325 : i1
      %and3A_327 = arith.andi %ne3A_326, %ne3A_321 : i1
      %add3A_328 = arith.addi %rem3A_319, %select_n3A_318 : i32
      %select_n3A_329 = arith.select %and3A_327, %add3A_328, %rem3A_319 : i32
      %eq3A_330 = arith.constant 2 : i32
      %eq3A_331 = arith.cmpi eq, %select_n3A_329, %eq3A_330 : i32
      %and3A_332 = arith.andi %lt3A_313, %eq3A_331 : i1
      %convert_element_type3A_333 = arith.extui %and3A_332 : i1 to i32
      %cond3A_334 = arith.constant 0 : i32
      %cond3A_335 = arith.cmpi ne, %convert_element_type3A_333, %cond3A_334 : i32
      scf.if %cond3A_335 {
        %dma_wait3A_416 = arith.constant 0 : i32
        %dma_wait3A_417 = tpu.memref_slice %arg2[%dma_wait3A_416] : memref<6400000xi32, #tpu.memory_space<hbm>> -> memref<4000xi32, #tpu.memory_space<hbm>>
        %dma_wait3A_418 = arith.constant 0 : i32
        %dma_wait3A_419 = tpu.memref_slice %arg2[%dma_wait3A_418] : memref<6400000xi32, #tpu.memory_space<hbm>> -> memref<4000xi32, #tpu.memory_space<hbm>>
        tpu.wait_dma2 semaphore(%arg25 : memref<!tpu.dma_semaphore, #tpu.memory_space<semaphore_mem>>) src(%dma_wait3A_419 : memref<4000xi32, #tpu.memory_space<hbm>>) dst(%arg13 : memref<4000xi32, #tpu.memory_space<vmem>>)
        %dma_wait3A_420 = arith.constant 0 : i32
        %dma_wait3A_421 = tpu.memref_slice %arg3[%dma_wait3A_420] : memref<6400000xf32, #tpu.memory_space<hbm>> -> memref<4000xf32, #tpu.memory_space<hbm>>
        %dma_wait3A_422 = arith.constant 0 : i32
        %dma_wait3A_423 = tpu.memref_slice %arg3[%dma_wait3A_422] : memref<6400000xf32, #tpu.memory_space<hbm>> -> memref<4000xf32, #tpu.memory_space<hbm>>
        tpu.wait_dma2 semaphore(%arg25 : memref<!tpu.dma_semaphore, #tpu.memory_space<semaphore_mem>>) src(%dma_wait3A_423 : memref<4000xf32, #tpu.memory_space<hbm>>) dst(%arg14 : memref<4000xf32, #tpu.memory_space<vmem>>)
        %dma_start3A_424 = arith.constant 0 : i32
        %dma_start3A_425 = tpu.memref_slice %arg20[%dma_start3A_424] : memref<100352xf32, #tpu.memory_space<vmem_shared>> -> memref<100352xf32, #tpu.memory_space<vmem_shared>>
        tpu.enqueue_indirect_dma source(%arg14 : memref<4000xf32, #tpu.memory_space<vmem>>) target(%dma_start3A_425 : memref<100352xf32, #tpu.memory_space<vmem_shared>>) offsets(%arg13 : memref<4000xi32, #tpu.memory_space<vmem>>) semaphore(%arg29 : memref<!tpu.dma_semaphore, #tpu.memory_space<semaphore_mem>>) {add = true}
      } else {
      }
      %add3A_336 = arith.constant 2 : i32
      %add3A_337 = arith.addi %scan3A_159, %add3A_336 : i32
      %lt3A_338 = arith.constant 24 : i32
      %lt3A_339 = arith.cmpi slt, %add3A_337, %lt3A_338 : i32
      %add3A_340 = arith.constant 2 : i32
      %add3A_341 = arith.addi %scan3A_159, %add3A_340 : i32
      %jit3A_342 = arith.constant 4 : i32
      %eq3A_343 = arith.constant 0 : i32
      %eq3A_344 = arith.cmpi eq, %jit3A_342, %eq3A_343 : i32
      %jit3A_345 = arith.constant 1 : i32
      %select_n3A_346 = arith.select %eq3A_344, %jit3A_345, %jit3A_342 : i32
      %rem3A_347 = arith.remsi %add3A_341, %select_n3A_346 : i32
      %ne3A_348 = arith.constant 0 : i32
      %ne3A_349 = arith.cmpi ne, %rem3A_347, %ne3A_348 : i32
      %lt3A_350 = arith.constant 0 : i32
      %lt3A_351 = arith.cmpi slt, %rem3A_347, %lt3A_350 : i32
      %lt3A_352 = arith.constant 0 : i32
      %lt3A_353 = arith.cmpi slt, %select_n3A_346, %lt3A_352 : i32
      %ne3A_354 = arith.xori %lt3A_351, %lt3A_353 : i1
      %and3A_355 = arith.andi %ne3A_354, %ne3A_349 : i1
      %add3A_356 = arith.addi %rem3A_347, %select_n3A_346 : i32
      %select_n3A_357 = arith.select %and3A_355, %add3A_356, %rem3A_347 : i32
      %eq3A_358 = arith.constant 2 : i32
      %eq3A_359 = arith.cmpi eq, %select_n3A_357, %eq3A_358 : i32
      %and3A_360 = arith.andi %lt3A_339, %eq3A_359 : i1
      %convert_element_type3A_361 = arith.extui %and3A_360 : i1 to i32
      %cond3A_362 = arith.constant 0 : i32
      %cond3A_363 = arith.cmpi ne, %convert_element_type3A_361, %cond3A_362 : i32
      scf.if %cond3A_363 {
        %ge3A = arith.constant 2 : i32
        %ge3A_416 = arith.cmpi sge, %scan3A_159, %ge3A : i32
        %convert_element_type3A_417 = arith.extui %ge3A_416 : i1 to i32
        %cond3A_418 = arith.constant 0 : i32
        %cond3A_419 = arith.cmpi ne, %convert_element_type3A_417, %cond3A_418 : i32
        scf.if %cond3A_419 {
          %dma_wait3A_431 = arith.constant 0 : i32
          %dma_wait3A_432 = tpu.memref_slice %arg20[%dma_wait3A_431] : memref<100352xf32, #tpu.memory_space<vmem_shared>> -> memref<100352xf32, #tpu.memory_space<vmem_shared>>
          tpu.wait_indirect_dma semaphore(%arg29 : memref<!tpu.dma_semaphore, #tpu.memory_space<semaphore_mem>>) src(%arg14 : memref<4000xf32, #tpu.memory_space<vmem>>) dst(%dma_wait3A_432 : memref<100352xf32, #tpu.memory_space<vmem_shared>>)
        } else {
        }
        %add3A_420 = arith.constant 2 : i32
        %add3A_421 = arith.addi %scan3A_159, %add3A_420 : i32
        %mul3A_422 = arith.constant 200000 : i32
        %mul3A_423 = arith.muli %add3A, %mul3A_422 : i32
        %mul3A_424 = arith.constant 4000 : i32
        %mul3A_425 = arith.muli %add3A_421, %mul3A_424 : i32
        %add3A_426 = arith.addi %mul3A_423, %mul3A_425 : i32
        %dma_start3A_427 = tpu.memref_slice %arg2[%add3A_426] : memref<6400000xi32, #tpu.memory_space<hbm>> -> memref<4000xi32, #tpu.memory_space<hbm>>
        %dma_start3A_428 = tpu.memref_slice %arg2[%add3A_426] : memref<6400000xi32, #tpu.memory_space<hbm>> -> memref<4000xi32, #tpu.memory_space<hbm>>
        tpu.enqueue_dma source(%dma_start3A_428 : memref<4000xi32, #tpu.memory_space<hbm>>) target(%arg13 : memref<4000xi32, #tpu.memory_space<vmem>>) target_semaphore(%arg25 : memref<!tpu.dma_semaphore, #tpu.memory_space<semaphore_mem>>)
        %dma_start3A_429 = tpu.memref_slice %arg3[%add3A_426] : memref<6400000xf32, #tpu.memory_space<hbm>> -> memref<4000xf32, #tpu.memory_space<hbm>>
        %dma_start3A_430 = tpu.memref_slice %arg3[%add3A_426] : memref<6400000xf32, #tpu.memory_space<hbm>> -> memref<4000xf32, #tpu.memory_space<hbm>>
        tpu.enqueue_dma source(%dma_start3A_430 : memref<4000xf32, #tpu.memory_space<hbm>>) target(%arg14 : memref<4000xf32, #tpu.memory_space<vmem>>) target_semaphore(%arg25 : memref<!tpu.dma_semaphore, #tpu.memory_space<semaphore_mem>>)
      } else {
      }
      %lt3A_364 = arith.constant 24 : i32
      %lt3A_365 = arith.cmpi slt, %scan3A_159, %lt3A_364 : i32
      %jit3A_366 = arith.constant 4 : i32
      %eq3A_367 = arith.constant 0 : i32
      %eq3A_368 = arith.cmpi eq, %jit3A_366, %eq3A_367 : i32
      %jit3A_369 = arith.constant 1 : i32
      %select_n3A_370 = arith.select %eq3A_368, %jit3A_369, %jit3A_366 : i32
      %rem3A_371 = arith.remsi %scan3A_159, %select_n3A_370 : i32
      %ne3A_372 = arith.constant 0 : i32
      %ne3A_373 = arith.cmpi ne, %rem3A_371, %ne3A_372 : i32
      %lt3A_374 = arith.constant 0 : i32
      %lt3A_375 = arith.cmpi slt, %rem3A_371, %lt3A_374 : i32
      %lt3A_376 = arith.constant 0 : i32
      %lt3A_377 = arith.cmpi slt, %select_n3A_370, %lt3A_376 : i32
      %ne3A_378 = arith.xori %lt3A_375, %lt3A_377 : i1
      %and3A_379 = arith.andi %ne3A_378, %ne3A_373 : i1
      %add3A_380 = arith.addi %rem3A_371, %select_n3A_370 : i32
      %select_n3A_381 = arith.select %and3A_379, %add3A_380, %rem3A_371 : i32
      %eq3A_382 = arith.constant 3 : i32
      %eq3A_383 = arith.cmpi eq, %select_n3A_381, %eq3A_382 : i32
      %and3A_384 = arith.andi %lt3A_365, %eq3A_383 : i1
      %convert_element_type3A_385 = arith.extui %and3A_384 : i1 to i32
      %cond3A_386 = arith.constant 0 : i32
      %cond3A_387 = arith.cmpi ne, %convert_element_type3A_385, %cond3A_386 : i32
      scf.if %cond3A_387 {
        %dma_wait3A_416 = arith.constant 0 : i32
        %dma_wait3A_417 = tpu.memref_slice %arg2[%dma_wait3A_416] : memref<6400000xi32, #tpu.memory_space<hbm>> -> memref<4000xi32, #tpu.memory_space<hbm>>
        %dma_wait3A_418 = arith.constant 0 : i32
        %dma_wait3A_419 = tpu.memref_slice %arg2[%dma_wait3A_418] : memref<6400000xi32, #tpu.memory_space<hbm>> -> memref<4000xi32, #tpu.memory_space<hbm>>
        tpu.wait_dma2 semaphore(%arg26 : memref<!tpu.dma_semaphore, #tpu.memory_space<semaphore_mem>>) src(%dma_wait3A_419 : memref<4000xi32, #tpu.memory_space<hbm>>) dst(%arg15 : memref<4000xi32, #tpu.memory_space<vmem>>)
        %dma_wait3A_420 = arith.constant 0 : i32
        %dma_wait3A_421 = tpu.memref_slice %arg3[%dma_wait3A_420] : memref<6400000xf32, #tpu.memory_space<hbm>> -> memref<4000xf32, #tpu.memory_space<hbm>>
        %dma_wait3A_422 = arith.constant 0 : i32
        %dma_wait3A_423 = tpu.memref_slice %arg3[%dma_wait3A_422] : memref<6400000xf32, #tpu.memory_space<hbm>> -> memref<4000xf32, #tpu.memory_space<hbm>>
        tpu.wait_dma2 semaphore(%arg26 : memref<!tpu.dma_semaphore, #tpu.memory_space<semaphore_mem>>) src(%dma_wait3A_423 : memref<4000xf32, #tpu.memory_space<hbm>>) dst(%arg16 : memref<4000xf32, #tpu.memory_space<vmem>>)
        %dma_start3A_424 = arith.constant 0 : i32
        %dma_start3A_425 = tpu.memref_slice %arg20[%dma_start3A_424] : memref<100352xf32, #tpu.memory_space<vmem_shared>> -> memref<100352xf32, #tpu.memory_space<vmem_shared>>
        tpu.enqueue_indirect_dma source(%arg16 : memref<4000xf32, #tpu.memory_space<vmem>>) target(%dma_start3A_425 : memref<100352xf32, #tpu.memory_space<vmem_shared>>) offsets(%arg15 : memref<4000xi32, #tpu.memory_space<vmem>>) semaphore(%arg30 : memref<!tpu.dma_semaphore, #tpu.memory_space<semaphore_mem>>) {add = true}
      } else {
      }
      %add3A_388 = arith.constant 2 : i32
      %add3A_389 = arith.addi %scan3A_159, %add3A_388 : i32
      %lt3A_390 = arith.constant 24 : i32
      %lt3A_391 = arith.cmpi slt, %add3A_389, %lt3A_390 : i32
      %add3A_392 = arith.constant 2 : i32
      %add3A_393 = arith.addi %scan3A_159, %add3A_392 : i32
      %jit3A_394 = arith.constant 4 : i32
      %eq3A_395 = arith.constant 0 : i32
      %eq3A_396 = arith.cmpi eq, %jit3A_394, %eq3A_395 : i32
      %jit3A_397 = arith.constant 1 : i32
      %select_n3A_398 = arith.select %eq3A_396, %jit3A_397, %jit3A_394 : i32
      %rem3A_399 = arith.remsi %add3A_393, %select_n3A_398 : i32
      %ne3A_400 = arith.constant 0 : i32
      %ne3A_401 = arith.cmpi ne, %rem3A_399, %ne3A_400 : i32
      %lt3A_402 = arith.constant 0 : i32
      %lt3A_403 = arith.cmpi slt, %rem3A_399, %lt3A_402 : i32
      %lt3A_404 = arith.constant 0 : i32
      %lt3A_405 = arith.cmpi slt, %select_n3A_398, %lt3A_404 : i32
      %ne3A_406 = arith.xori %lt3A_403, %lt3A_405 : i1
      %and3A_407 = arith.andi %ne3A_406, %ne3A_401 : i1
      %add3A_408 = arith.addi %rem3A_399, %select_n3A_398 : i32
      %select_n3A_409 = arith.select %and3A_407, %add3A_408, %rem3A_399 : i32
      %eq3A_410 = arith.constant 3 : i32
      %eq3A_411 = arith.cmpi eq, %select_n3A_409, %eq3A_410 : i32
      %and3A_412 = arith.andi %lt3A_391, %eq3A_411 : i1
      %convert_element_type3A_413 = arith.extui %and3A_412 : i1 to i32
      %cond3A_414 = arith.constant 0 : i32
      %cond3A_415 = arith.cmpi ne, %convert_element_type3A_413, %cond3A_414 : i32
      scf.if %cond3A_415 {
        %ge3A = arith.constant 2 : i32
        %ge3A_416 = arith.cmpi sge, %scan3A_159, %ge3A : i32
        %convert_element_type3A_417 = arith.extui %ge3A_416 : i1 to i32
        %cond3A_418 = arith.constant 0 : i32
        %cond3A_419 = arith.cmpi ne, %convert_element_type3A_417, %cond3A_418 : i32
        scf.if %cond3A_419 {
          %dma_wait3A_431 = arith.constant 0 : i32
          %dma_wait3A_432 = tpu.memref_slice %arg20[%dma_wait3A_431] : memref<100352xf32, #tpu.memory_space<vmem_shared>> -> memref<100352xf32, #tpu.memory_space<vmem_shared>>
          tpu.wait_indirect_dma semaphore(%arg30 : memref<!tpu.dma_semaphore, #tpu.memory_space<semaphore_mem>>) src(%arg16 : memref<4000xf32, #tpu.memory_space<vmem>>) dst(%dma_wait3A_432 : memref<100352xf32, #tpu.memory_space<vmem_shared>>)
        } else {
        }
        %add3A_420 = arith.constant 2 : i32
        %add3A_421 = arith.addi %scan3A_159, %add3A_420 : i32
        %mul3A_422 = arith.constant 200000 : i32
        %mul3A_423 = arith.muli %add3A, %mul3A_422 : i32
        %mul3A_424 = arith.constant 4000 : i32
        %mul3A_425 = arith.muli %add3A_421, %mul3A_424 : i32
        %add3A_426 = arith.addi %mul3A_423, %mul3A_425 : i32
        %dma_start3A_427 = tpu.memref_slice %arg2[%add3A_426] : memref<6400000xi32, #tpu.memory_space<hbm>> -> memref<4000xi32, #tpu.memory_space<hbm>>
        %dma_start3A_428 = tpu.memref_slice %arg2[%add3A_426] : memref<6400000xi32, #tpu.memory_space<hbm>> -> memref<4000xi32, #tpu.memory_space<hbm>>
        tpu.enqueue_dma source(%dma_start3A_428 : memref<4000xi32, #tpu.memory_space<hbm>>) target(%arg15 : memref<4000xi32, #tpu.memory_space<vmem>>) target_semaphore(%arg26 : memref<!tpu.dma_semaphore, #tpu.memory_space<semaphore_mem>>)
        %dma_start3A_429 = tpu.memref_slice %arg3[%add3A_426] : memref<6400000xf32, #tpu.memory_space<hbm>> -> memref<4000xf32, #tpu.memory_space<hbm>>
        %dma_start3A_430 = tpu.memref_slice %arg3[%add3A_426] : memref<6400000xf32, #tpu.memory_space<hbm>> -> memref<4000xf32, #tpu.memory_space<hbm>>
        tpu.enqueue_dma source(%dma_start3A_430 : memref<4000xf32, #tpu.memory_space<hbm>>) target(%arg16 : memref<4000xf32, #tpu.memory_space<vmem>>) target_semaphore(%arg26 : memref<!tpu.dma_semaphore, #tpu.memory_space<semaphore_mem>>)
      } else {
      }
    }
    %scan3A_117 = arith.constant 26 : i32
    %dma_wait3A = arith.constant 0 : i32
    %dma_wait3A_118 = tpu.memref_slice %arg20[%dma_wait3A] : memref<100352xf32, #tpu.memory_space<vmem_shared>> -> memref<100352xf32, #tpu.memory_space<vmem_shared>>
    tpu.wait_indirect_dma semaphore(%arg27 : memref<!tpu.dma_semaphore, #tpu.memory_space<semaphore_mem>>) src(%arg10 : memref<4000xf32, #tpu.memory_space<vmem>>) dst(%dma_wait3A_118 : memref<100352xf32, #tpu.memory_space<vmem_shared>>)
    %dma_wait3A_119 = arith.constant 0 : i32
    %dma_wait3A_120 = tpu.memref_slice %arg20[%dma_wait3A_119] : memref<100352xf32, #tpu.memory_space<vmem_shared>> -> memref<100352xf32, #tpu.memory_space<vmem_shared>>
    tpu.wait_indirect_dma semaphore(%arg28 : memref<!tpu.dma_semaphore, #tpu.memory_space<semaphore_mem>>) src(%arg12 : memref<4000xf32, #tpu.memory_space<vmem>>) dst(%dma_wait3A_120 : memref<100352xf32, #tpu.memory_space<vmem_shared>>)
    %dma_wait3A_121 = arith.constant 0 : i32
    %dma_wait3A_122 = tpu.memref_slice %arg20[%dma_wait3A_121] : memref<100352xf32, #tpu.memory_space<vmem_shared>> -> memref<100352xf32, #tpu.memory_space<vmem_shared>>
    tpu.wait_indirect_dma semaphore(%arg29 : memref<!tpu.dma_semaphore, #tpu.memory_space<semaphore_mem>>) src(%arg14 : memref<4000xf32, #tpu.memory_space<vmem>>) dst(%dma_wait3A_122 : memref<100352xf32, #tpu.memory_space<vmem_shared>>)
    %dma_wait3A_123 = arith.constant 0 : i32
    %dma_wait3A_124 = tpu.memref_slice %arg20[%dma_wait3A_123] : memref<100352xf32, #tpu.memory_space<vmem_shared>> -> memref<100352xf32, #tpu.memory_space<vmem_shared>>
    tpu.wait_indirect_dma semaphore(%arg30 : memref<!tpu.dma_semaphore, #tpu.memory_space<semaphore_mem>>) src(%arg16 : memref<4000xf32, #tpu.memory_space<vmem>>) dst(%dma_wait3A_124 : memref<100352xf32, #tpu.memory_space<vmem_shared>>)
    %barrier3A_125 = arith.constant 0 : index
    tpu.barrier barrier_id(%barrier3A_125)
    %add3A_126 = arith.constant 0 : i32
    %add3A_127 = arith.addi %select_n3A, %add3A_126 : i32
    %le3A = arith.cmpi sle, %add3A_127, %select_n3A_90 : i32
    %and3A_128 = arith.andi %lt3A_92, %le3A : i1
    %convert_element_type3A = arith.extui %and3A_128 : i1 to i32
    %cond3A = arith.constant 0 : i32
    %cond3A_129 = arith.cmpi ne, %convert_element_type3A, %cond3A : i32
    scf.if %cond3A_129 {
      %scan3A_159 = arith.constant 0 : i32
      %scan3A_160 = arith.constant 196 : i32
      %scan3A_161 = arith.addi %scan3A_159, %scan3A_160 : i32
      %scan3A_162 = arith.constant 1 : i32
      scf.for %scan3A_164 = %scan3A_159 to %scan3A_161 step %scan3A_162  : i32 {
        %add3A_165 = vector.broadcast %mul3A_94 : i32 to vector<16xi32>
        %add3A_166 = arith.addi %iota3A, %add3A_165 : vector<16xi32>
        %mul3A_167 = arith.constant 16 : i32
        %mul3A_168 = arith.muli %mul3A_167, %scan3A_164 : i32
        %add3A_169 = arith.constant 0 : i32
        %add3A_170 = arith.addi %add3A_169, %mul3A_168 : i32
        %add3A_171 = vector.broadcast %add3A_170 : i32 to vector<16xi32>
        %add3A_172 = arith.addi %add3A_166, %add3A_171 : vector<16xi32>
        %mul3A_173 = arith.constant 16 : i32
        %mul3A_174 = arith.muli %mul3A_173, %scan3A_164 : i32
        %swap3A = arith.index_cast %mul3A_174 : i32 to index
        %swap3A_175 = tpu.vector_load %arg17[%swap3A] {strides = array<i32>} : memref<3136xi32, #tpu.memory_space<vmem>>, vector<16xi32>,
        tpu.vector_store %arg17[%swap3A], %add3A_172 {strides = array<i32>} : memref<3136xi32, #tpu.memory_space<vmem>>, vector<16xi32>,
      }
      %scan3A_163 = arith.constant 196 : i32
      "tpu.region"() ({
        %run_scoped3A = tpu.sem_alloc : memref<!tpu.dma_semaphore, #tpu.memory_space<semaphore_mem>>
        %dma_start3A_164 = arith.constant 0 : i32
        %dma_start3A_165 = tpu.memref_slice %arg19[%dma_start3A_164] : memref<12544xf32, #tpu.memory_space<vmem>> -> memref<3136xf32, #tpu.memory_space<vmem>>
        %dma_start3A_166 = arith.constant 0 : i32
        %dma_start3A_167 = tpu.memref_slice %arg20[%dma_start3A_166] : memref<100352xf32, #tpu.memory_space<vmem_shared>> -> memref<100352xf32, #tpu.memory_space<vmem_shared>>
        tpu.enqueue_indirect_dma source(%dma_start3A_165 : memref<3136xf32, #tpu.memory_space<vmem>>) target(%dma_start3A_167 : memref<100352xf32, #tpu.memory_space<vmem_shared>>) offsets(%arg17 : memref<3136xi32, #tpu.memory_space<vmem>>) semaphore(%run_scoped3A : memref<!tpu.dma_semaphore, #tpu.memory_space<semaphore_mem>>) {add = true}
        %dma_wait3A_168 = arith.constant 0 : i32
        %dma_wait3A_169 = tpu.memref_slice %arg19[%dma_wait3A_168] : memref<12544xf32, #tpu.memory_space<vmem>> -> memref<3136xf32, #tpu.memory_space<vmem>>
        %dma_wait3A_170 = arith.constant 0 : i32
        %dma_wait3A_171 = tpu.memref_slice %arg20[%dma_wait3A_170] : memref<100352xf32, #tpu.memory_space<vmem_shared>> -> memref<100352xf32, #tpu.memory_space<vmem_shared>>
        tpu.wait_indirect_dma semaphore(%run_scoped3A : memref<!tpu.dma_semaphore, #tpu.memory_space<semaphore_mem>>) src(%dma_wait3A_169 : memref<3136xf32, #tpu.memory_space<vmem>>) dst(%dma_wait3A_171 : memref<100352xf32, #tpu.memory_space<vmem_shared>>)
        tpu.yield
      }) : () -> ()
    } else {
    }
    %add3A_130 = arith.constant 1 : i32
    %add3A_131 = arith.addi %select_n3A, %add3A_130 : i32
    %le3A_132 = arith.cmpi sle, %add3A_131, %select_n3A_90 : i32
    %and3A_133 = arith.andi %lt3A_92, %le3A_132 : i1
    %convert_element_type3A_134 = arith.extui %and3A_133 : i1 to i32
    %cond3A_135 = arith.constant 0 : i32
    %cond3A_136 = arith.cmpi ne, %convert_element_type3A_134, %cond3A_135 : i32
    scf.if %cond3A_136 {
      %scan3A_159 = arith.constant 0 : i32
      %scan3A_160 = arith.constant 196 : i32
      %scan3A_161 = arith.addi %scan3A_159, %scan3A_160 : i32
      %scan3A_162 = arith.constant 1 : i32
      scf.for %scan3A_164 = %scan3A_159 to %scan3A_161 step %scan3A_162  : i32 {
        %add3A_165 = vector.broadcast %mul3A_94 : i32 to vector<16xi32>
        %add3A_166 = arith.addi %iota3A, %add3A_165 : vector<16xi32>
        %mul3A_167 = arith.constant 16 : i32
        %mul3A_168 = arith.muli %mul3A_167, %scan3A_164 : i32
        %add3A_169 = arith.constant 3136 : i32
        %add3A_170 = arith.addi %add3A_169, %mul3A_168 : i32
        %add3A_171 = vector.broadcast %add3A_170 : i32 to vector<16xi32>
        %add3A_172 = arith.addi %add3A_166, %add3A_171 : vector<16xi32>
        %mul3A_173 = arith.constant 16 : i32
        %mul3A_174 = arith.muli %mul3A_173, %scan3A_164 : i32
        %swap3A = arith.index_cast %mul3A_174 : i32 to index
        %swap3A_175 = tpu.vector_load %arg17[%swap3A] {strides = array<i32>} : memref<3136xi32, #tpu.memory_space<vmem>>, vector<16xi32>,
        tpu.vector_store %arg17[%swap3A], %add3A_172 {strides = array<i32>} : memref<3136xi32, #tpu.memory_space<vmem>>, vector<16xi32>,
      }
      %scan3A_163 = arith.constant 196 : i32
      "tpu.region"() ({
        %run_scoped3A = tpu.sem_alloc : memref<!tpu.dma_semaphore, #tpu.memory_space<semaphore_mem>>
        %dma_start3A_164 = arith.constant 3136 : i32
        %dma_start3A_165 = tpu.memref_slice %arg19[%dma_start3A_164] : memref<12544xf32, #tpu.memory_space<vmem>> -> memref<3136xf32, #tpu.memory_space<vmem>>
        %dma_start3A_166 = arith.constant 0 : i32
        %dma_start3A_167 = tpu.memref_slice %arg20[%dma_start3A_166] : memref<100352xf32, #tpu.memory_space<vmem_shared>> -> memref<100352xf32, #tpu.memory_space<vmem_shared>>
        tpu.enqueue_indirect_dma source(%dma_start3A_165 : memref<3136xf32, #tpu.memory_space<vmem>>) target(%dma_start3A_167 : memref<100352xf32, #tpu.memory_space<vmem_shared>>) offsets(%arg17 : memref<3136xi32, #tpu.memory_space<vmem>>) semaphore(%run_scoped3A : memref<!tpu.dma_semaphore, #tpu.memory_space<semaphore_mem>>) {add = true}
        %dma_wait3A_168 = arith.constant 3136 : i32
        %dma_wait3A_169 = tpu.memref_slice %arg19[%dma_wait3A_168] : memref<12544xf32, #tpu.memory_space<vmem>> -> memref<3136xf32, #tpu.memory_space<vmem>>
        %dma_wait3A_170 = arith.constant 0 : i32
        %dma_wait3A_171 = tpu.memref_slice %arg20[%dma_wait3A_170] : memref<100352xf32, #tpu.memory_space<vmem_shared>> -> memref<100352xf32, #tpu.memory_space<vmem_shared>>
        tpu.wait_indirect_dma semaphore(%run_scoped3A : memref<!tpu.dma_semaphore, #tpu.memory_space<semaphore_mem>>) src(%dma_wait3A_169 : memref<3136xf32, #tpu.memory_space<vmem>>) dst(%dma_wait3A_171 : memref<100352xf32, #tpu.memory_space<vmem_shared>>)
        tpu.yield
      }) : () -> ()
    } else {
    }
    %add3A_137 = arith.constant 2 : i32
    %add3A_138 = arith.addi %select_n3A, %add3A_137 : i32
    %le3A_139 = arith.cmpi sle, %add3A_138, %select_n3A_90 : i32
    %and3A_140 = arith.andi %lt3A_92, %le3A_139 : i1
    %convert_element_type3A_141 = arith.extui %and3A_140 : i1 to i32
    %cond3A_142 = arith.constant 0 : i32
    %cond3A_143 = arith.cmpi ne, %convert_element_type3A_141, %cond3A_142 : i32
    scf.if %cond3A_143 {
      %scan3A_159 = arith.constant 0 : i32
      %scan3A_160 = arith.constant 196 : i32
      %scan3A_161 = arith.addi %scan3A_159, %scan3A_160 : i32
      %scan3A_162 = arith.constant 1 : i32
      scf.for %scan3A_164 = %scan3A_159 to %scan3A_161 step %scan3A_162  : i32 {
        %add3A_165 = vector.broadcast %mul3A_94 : i32 to vector<16xi32>
        %add3A_166 = arith.addi %iota3A, %add3A_165 : vector<16xi32>
        %mul3A_167 = arith.constant 16 : i32
        %mul3A_168 = arith.muli %mul3A_167, %scan3A_164 : i32
        %add3A_169 = arith.constant 6272 : i32
        %add3A_170 = arith.addi %add3A_169, %mul3A_168 : i32
        %add3A_171 = vector.broadcast %add3A_170 : i32 to vector<16xi32>
        %add3A_172 = arith.addi %add3A_166, %add3A_171 : vector<16xi32>
        %mul3A_173 = arith.constant 16 : i32
        %mul3A_174 = arith.muli %mul3A_173, %scan3A_164 : i32
        %swap3A = arith.index_cast %mul3A_174 : i32 to index
        %swap3A_175 = tpu.vector_load %arg17[%swap3A] {strides = array<i32>} : memref<3136xi32, #tpu.memory_space<vmem>>, vector<16xi32>,
        tpu.vector_store %arg17[%swap3A], %add3A_172 {strides = array<i32>} : memref<3136xi32, #tpu.memory_space<vmem>>, vector<16xi32>,
      }
      %scan3A_163 = arith.constant 196 : i32
      "tpu.region"() ({
        %run_scoped3A = tpu.sem_alloc : memref<!tpu.dma_semaphore, #tpu.memory_space<semaphore_mem>>
        %dma_start3A_164 = arith.constant 6272 : i32
        %dma_start3A_165 = tpu.memref_slice %arg19[%dma_start3A_164] : memref<12544xf32, #tpu.memory_space<vmem>> -> memref<3136xf32, #tpu.memory_space<vmem>>
        %dma_start3A_166 = arith.constant 0 : i32
        %dma_start3A_167 = tpu.memref_slice %arg20[%dma_start3A_166] : memref<100352xf32, #tpu.memory_space<vmem_shared>> -> memref<100352xf32, #tpu.memory_space<vmem_shared>>
        tpu.enqueue_indirect_dma source(%dma_start3A_165 : memref<3136xf32, #tpu.memory_space<vmem>>) target(%dma_start3A_167 : memref<100352xf32, #tpu.memory_space<vmem_shared>>) offsets(%arg17 : memref<3136xi32, #tpu.memory_space<vmem>>) semaphore(%run_scoped3A : memref<!tpu.dma_semaphore, #tpu.memory_space<semaphore_mem>>) {add = true}
        %dma_wait3A_168 = arith.constant 6272 : i32
        %dma_wait3A_169 = tpu.memref_slice %arg19[%dma_wait3A_168] : memref<12544xf32, #tpu.memory_space<vmem>> -> memref<3136xf32, #tpu.memory_space<vmem>>
        %dma_wait3A_170 = arith.constant 0 : i32
        %dma_wait3A_171 = tpu.memref_slice %arg20[%dma_wait3A_170] : memref<100352xf32, #tpu.memory_space<vmem_shared>> -> memref<100352xf32, #tpu.memory_space<vmem_shared>>
        tpu.wait_indirect_dma semaphore(%run_scoped3A : memref<!tpu.dma_semaphore, #tpu.memory_space<semaphore_mem>>) src(%dma_wait3A_169 : memref<3136xf32, #tpu.memory_space<vmem>>) dst(%dma_wait3A_171 : memref<100352xf32, #tpu.memory_space<vmem_shared>>)
        tpu.yield
      }) : () -> ()
    } else {
    }
    %add3A_144 = arith.constant 3 : i32
    %add3A_145 = arith.addi %select_n3A, %add3A_144 : i32
    %le3A_146 = arith.cmpi sle, %add3A_145, %select_n3A_90 : i32
    %and3A_147 = arith.andi %lt3A_92, %le3A_146 : i1
    %convert_element_type3A_148 = arith.extui %and3A_147 : i1 to i32
    %cond3A_149 = arith.constant 0 : i32
    %cond3A_150 = arith.cmpi ne, %convert_element_type3A_148, %cond3A_149 : i32
    scf.if %cond3A_150 {
      %scan3A_159 = arith.constant 0 : i32
      %scan3A_160 = arith.constant 196 : i32
      %scan3A_161 = arith.addi %scan3A_159, %scan3A_160 : i32
      %scan3A_162 = arith.constant 1 : i32
      scf.for %scan3A_164 = %scan3A_159 to %scan3A_161 step %scan3A_162  : i32 {
        %add3A_165 = vector.broadcast %mul3A_94 : i32 to vector<16xi32>
        %add3A_166 = arith.addi %iota3A, %add3A_165 : vector<16xi32>
        %mul3A_167 = arith.constant 16 : i32
        %mul3A_168 = arith.muli %mul3A_167, %scan3A_164 : i32
        %add3A_169 = arith.constant 9408 : i32
        %add3A_170 = arith.addi %add3A_169, %mul3A_168 : i32
        %add3A_171 = vector.broadcast %add3A_170 : i32 to vector<16xi32>
        %add3A_172 = arith.addi %add3A_166, %add3A_171 : vector<16xi32>
        %mul3A_173 = arith.constant 16 : i32
        %mul3A_174 = arith.muli %mul3A_173, %scan3A_164 : i32
        %swap3A = arith.index_cast %mul3A_174 : i32 to index
        %swap3A_175 = tpu.vector_load %arg17[%swap3A] {strides = array<i32>} : memref<3136xi32, #tpu.memory_space<vmem>>, vector<16xi32>,
        tpu.vector_store %arg17[%swap3A], %add3A_172 {strides = array<i32>} : memref<3136xi32, #tpu.memory_space<vmem>>, vector<16xi32>,
      }
      %scan3A_163 = arith.constant 196 : i32
      "tpu.region"() ({
        %run_scoped3A = tpu.sem_alloc : memref<!tpu.dma_semaphore, #tpu.memory_space<semaphore_mem>>
        %dma_start3A_164 = arith.constant 9408 : i32
        %dma_start3A_165 = tpu.memref_slice %arg19[%dma_start3A_164] : memref<12544xf32, #tpu.memory_space<vmem>> -> memref<3136xf32, #tpu.memory_space<vmem>>
        %dma_start3A_166 = arith.constant 0 : i32
        %dma_start3A_167 = tpu.memref_slice %arg20[%dma_start3A_166] : memref<100352xf32, #tpu.memory_space<vmem_shared>> -> memref<100352xf32, #tpu.memory_space<vmem_shared>>
        tpu.enqueue_indirect_dma source(%dma_start3A_165 : memref<3136xf32, #tpu.memory_space<vmem>>) target(%dma_start3A_167 : memref<100352xf32, #tpu.memory_space<vmem_shared>>) offsets(%arg17 : memref<3136xi32, #tpu.memory_space<vmem>>) semaphore(%run_scoped3A : memref<!tpu.dma_semaphore, #tpu.memory_space<semaphore_mem>>) {add = true}
        %dma_wait3A_168 = arith.constant 9408 : i32
        %dma_wait3A_169 = tpu.memref_slice %arg19[%dma_wait3A_168] : memref<12544xf32, #tpu.memory_space<vmem>> -> memref<3136xf32, #tpu.memory_space<vmem>>
        %dma_wait3A_170 = arith.constant 0 : i32
        %dma_wait3A_171 = tpu.memref_slice %arg20[%dma_wait3A_170] : memref<100352xf32, #tpu.memory_space<vmem_shared>> -> memref<100352xf32, #tpu.memory_space<vmem_shared>>
        tpu.wait_indirect_dma semaphore(%run_scoped3A : memref<!tpu.dma_semaphore, #tpu.memory_space<semaphore_mem>>) src(%dma_wait3A_169 : memref<3136xf32, #tpu.memory_space<vmem>>) dst(%dma_wait3A_171 : memref<100352xf32, #tpu.memory_space<vmem_shared>>)
        tpu.yield
      }) : () -> ()
    } else {
    }
    %barrier3A_151 = arith.constant 0 : index
    tpu.barrier barrier_id(%barrier3A_151)
    %mul3A_152 = arith.constant 6272 : i32
    %mul3A_153 = arith.muli %arg1, %mul3A_152 : i32
    %mul3A_154 = arith.constant 100352 : i32
    %mul3A_155 = arith.muli %arg0, %mul3A_154 : i32
    %mul3A_156 = arith.constant 6272 : i32
    %mul3A_157 = arith.muli %arg1, %mul3A_156 : i32
    %add3A_158 = arith.addi %mul3A_155, %mul3A_157 : i32
    "tpu.region"() ({
      %run_scoped3A = tpu.sem_alloc : memref<!tpu.dma_semaphore, #tpu.memory_space<semaphore_mem>>
      %dma_start3A_159 = tpu.memref_slice %arg4[%add3A_158] : memref<200704xf32, #tpu.memory_space<hbm>> -> memref<6272xf32, #tpu.memory_space<hbm>>
      %dma_start3A_160 = tpu.memref_slice %arg20[%mul3A_153] : memref<100352xf32, #tpu.memory_space<vmem_shared>> -> memref<6272xf32, #tpu.memory_space<vmem_shared>>
      tpu.enqueue_dma source(%dma_start3A_160 : memref<6272xf32, #tpu.memory_space<vmem_shared>>) target(%dma_start3A_159 : memref<6272xf32, #tpu.memory_space<hbm>>) target_semaphore(%run_scoped3A : memref<!tpu.dma_semaphore, #tpu.memory_space<semaphore_mem>>)
      %dma_wait3A_161 = tpu.memref_slice %arg4[%add3A_158] : memref<200704xf32, #tpu.memory_space<hbm>> -> memref<6272xf32, #tpu.memory_space<hbm>>
      %dma_wait3A_162 = tpu.memref_slice %arg20[%mul3A_153] : memref<100352xf32, #tpu.memory_space<vmem_shared>> -> memref<6272xf32, #tpu.memory_space<vmem_shared>>
      tpu.wait_dma2 semaphore(%run_scoped3A : memref<!tpu.dma_semaphore, #tpu.memory_space<semaphore_mem>>) src(%dma_wait3A_162 : memref<6272xf32, #tpu.memory_space<vmem_shared>>) dst(%dma_wait3A_161 : memref<6272xf32, #tpu.memory_space<hbm>>)
      tpu.yield
    }) : () -> ()
    return
  }
}

</mosaic_0001>

<sc_bundles>
// kernel: kernel.4.cloned.1.call-start
scs
__scs_entry_jumppad:
0x0: {  	(pc) =	sbr.rel $0x88, $3  }
0x1: {  	(tag) =	ssettag $0x0;
	lr =	simm.s32 $0x1  }
0x2: {  	[smem:$0x3F9F] =	sst lr;
	_ =	strace $0xD0000000  }
0x3: {  	_ = 	snop  }
0x4: {  	_ = 	snop  }
0x5: {  	_ = 	snop  }
0x6: {  	_ = 	snop  }
0x7: {  	_ = 	snop  }
__scs_overlays_trampoline_lowered:
0x8: {  	[smem:$0x3FAE] =	sst s0  }
0x9: {  	[smem:$0x3FAF] =	sst s1  }
0xa: {  	[smem:$0x3FB0] =	sst s2  }
0xb: {  	[smem:$0x3FB1] =	sst s3  }
0xc: {  	[smem:$0x3FB2] =	sst s4  }
0xd: {  	[smem:$0x3FB3] =	sst s5  }
0xe: {  	[smem:$0x3FB4] =	sst s6  }
0xf: {  	[smem:$0x3FB5] =	sst s7  }
0x10: {  	[smem:$0x3FB6] =	sst s8  }
0x11: {  	[smem:$0x3FB7] =	sst s9;
	s0 =	simm.s32 @!p0 $0x0  }
0x12: {  	s1 =	sld [smem:$0x3F9D];
	s0 =	simm.s32 @p0 $0x1  }
0x13: {  	[smem:$0x3FB8] =	sst s0;
	s0 =	simm.s32 @!p1 $0x0  }
0x14: {  	s2 =	sld [smem:$0x3F9C];
	s0 =	simm.s32 @p1 $0x1  }
0x15: {  	[smem:$0x3FB9] =	sst s0;
	s0 =	simm.s32 @!p2 $0x0  }
0x16: {  	s3 =	sld [smem:$0x3FDB];
	s0 =	simm.s32 @p2 $0x1  }
0x17: {  	s4 =	simm.s32 $0x1BF5;
	[smem:$0x3FBB] =	sst s0  }
0x18: {  	s0 =	sld [smem:$0x3F9E];
	_ =	swait.ge [sflag:s4], $0x0  }
0x19: {  	s7 =	sld [smem:$0x3F9F]  }
0x1a: {  	s8 =	sadd.s32 $0xFFFFE003, lr  }
0x1b: {  	s9 =	sadd.s32 $0xFFFFFEF7, lr;
	s5 =	simm.s32 $0xFFFFFFFF;
	p2 =	slt.u32 s8, $0xFFFFF086  }
0x1c: {  	p1 =	slt.u32 s9, $0xF7A;
	s5 =	simm.s32 @!p2 $0x0  }
0x1d: {  	s5 =	simm.s32 @p1 $0x1;
	p0 =	seq.s32 s7, s2  }
0x1e: {  	s7 =	smul.u32 @!p0 $0xF7A, s2;
	p2 =	seq.s32 @!p0 s5, $0x0  }
0x1f: {  	s9 =	smul.u32 $0xF7A, s1;
	s8 =	simm.s32 @!p0 $0x1BF5;
	p2 =	por !p2, p0  }
0x20: {  	[sflag:s8] =	ssyncset.s32 @!p0 $0xFFFFF086;
	s6 =	sadd.s32 @!p0 s3, s7;
	s7 =	simm.s32 @!p0 $0x108  }
0x21: {  	s3 =	sadd.s32 s3, s9;
	s6 =	sadd.s32 @!p0 $0x88, s6;
	s7 =	simm.s32 @p2 $0x1082  }
0x22: {  	[simem:s7], [sflag:s8] =	dma.local @!p0 [hbm:s6], $0xF7A  }
0x23: {  	s9 =	sor.u32 $0xD0000000, s2;
	s6 =	simm.s32 $0x108;
	_ =	swait.ge @!p0 [sflag:s8], $0x0  }
0x24: {  	s3 =	sadd.s32 $0x88, s3;
	s6 =	simm.s32 @!p1 $0x1082;
	[sflag:s4] =	ssyncset.s32 $0xFFFFF086  }
0x25: {  	[simem:s6], [sflag:s4] =	dma.local [hbm:s3], $0xF7A  }
0x26: {  	[smem:$0x3F9F] =	sst s1;
	(tag) =	ssettag s2;
	_ =	strace s9  }
0x27: {  	s1 =	sld [smem:$0x3FAF]  }
0x28: {  	s2 =	sld [smem:$0x3FB0]  }
0x29: {  	s4 =	sld [smem:$0x3FB2]  }
0x2a: {  	p0 =	seq.s32 s5, $0x0;
	s5 =	sld [smem:$0x3FB3]  }
0x2b: {  	s6 =	sld [smem:$0x3FB4]  }
0x2c: {  	s7 =	sld [smem:$0x3FB5]  }
0x2d: {  	s3 =	simm.s32 $0x108;
	s8 =	sld [smem:$0x3FB6]  }
0x2e: {  	s3 =	simm.s32 @!p0 $0x1082;
	s9 =	sld [smem:$0x3FB7]  }
0x2f: {  	lr =	sadd.s32 s0, s3;
	s0 =	sld [smem:$0x3FAE]  }
0x30: {  	s3 =	sld [smem:$0x3FB1]  }
0x31: {  	[smem:$0x3FBA] =	sst s10  }
0x32: {  	s10 =	sld [smem:$0x3FB8];
	_ =	sdelay $0x3  }
0x33: {  	p0 =	seq.s32 s10, $0x1;
	s10 =	sld [smem:$0x3FBA];
	_ =	sdelay $0x3  }
0x34: {  	[smem:$0x3FBA] =	sst s10  }
0x35: {  	s10 =	sld [smem:$0x3FB9];
	_ =	sdelay $0x3  }
0x36: {  	p1 =	seq.s32 s10, $0x1;
	s10 =	sld [smem:$0x3FBA];
	_ =	sdelay $0x3  }
0x37: {  	[smem:$0x3FBA] =	sst s10  }
0x38: {  	s10 =	sld [smem:$0x3FBB]  }
0x39: {  	_ = 	snop;
	(pc) =	sbr.ind lr, $3  }
0x3a: {  	_ = 	snop  }
0x3b: {  	_ = 	snop  }
0x3c: {  	p2 =	seq.s32 s10, $0x1;
	s10 =	sld [smem:$0x3FBA]  }
0x3d: {  	_ =	shalt  }
0x3e: {  	_ =	shalt  }
0x3f: {  	_ =	shalt  }
0x40: {  	_ =	shalt  }
0x41: {  	_ =	shalt  }
0x42: {  	_ =	shalt  }
0x43: {  	_ =	shalt  }
0x44: {  	_ =	shalt  }
0x45: {  	_ =	shalt  }
0x46: {  	_ =	shalt  }
0x47: {  	_ =	shalt  }
0x48: {  	_ =	shalt  }
0x49: {  	_ =	shalt  }
0x4a: {  	_ =	shalt  }
0x4b: {  	_ =	shalt  }
0x4c: {  	_ =	shalt  }
0x4d: {  	_ =	shalt  }
0x4e: {  	_ =	shalt  }
0x4f: {  	_ =	shalt  }
0x50: {  	_ =	shalt  }
0x51: {  	_ =	shalt  }
0x52: {  	_ =	shalt  }
0x53: {  	_ =	shalt  }
0x54: {  	_ =	shalt  }
0x55: {  	_ =	shalt  }
0x56: {  	_ =	shalt  }
0x57: {  	_ =	shalt  }
0x58: {  	_ =	shalt  }
0x59: {  	_ =	shalt  }
0x5a: {  	_ =	shalt  }
0x5b: {  	_ =	shalt  }
0x5c: {  	_ =	shalt  }
0x5d: {  	_ =	shalt  }
0x5e: {  	_ =	shalt  }
0x5f: {  	_ =	shalt  }
0x60: {  	_ =	shalt  }
0x61: {  	_ =	shalt  }
0x62: {  	_ =	shalt  }
0x63: {  	_ =	shalt  }
0x64: {  	_ =	shalt  }
0x65: {  	_ =	shalt  }
0x66: {  	_ =	shalt  }
0x67: {  	_ =	shalt  }
0x68: {  	_ =	shalt  }
0x69: {  	_ =	shalt  }
0x6a: {  	_ =	shalt  }
0x6b: {  	_ =	shalt  }
0x6c: {  	_ =	shalt  }
0x6d: {  	_ =	shalt  }
0x6e: {  	_ =	shalt  }
0x6f: {  	_ =	shalt  }
0x70: {  	_ =	shalt  }
0x71: {  	_ =	shalt  }
0x72: {  	_ =	shalt  }
0x73: {  	_ =	shalt  }
0x74: {  	_ =	shalt  }
0x75: {  	_ =	shalt  }
0x76: {  	_ =	shalt  }
0x77: {  	_ =	shalt  }
0x78: {  	_ =	shalt  }
0x79: {  	_ =	shalt  }
0x7a: {  	_ =	shalt  }
0x7b: {  	_ =	shalt  }
0x7c: {  	_ =	shalt  }
0x7d: {  	_ =	shalt  }
0x7e: {  	_ =	shalt  }
0x7f: {  	_ =	shalt  }
0x80: {  	_ =	shalt  }
0x81: {  	_ =	shalt  }
0x82: {  	_ =	shalt  }
0x83: {  	_ =	shalt  }
0x84: {  	_ =	shalt  }
0x85: {  	_ =	shalt  }
0x86: {  	_ =	shalt  }
0x87: {  	_ =	shalt  }
.Lfunc_end0:
.L_simem_size_0:
called_computation_lowered:
.L_overlay_start_0:
0x88: {  	s2 =	sld [smem:$0x3FD9]  }
0x89: {  	s3 =	sld [smem:$0x3FFE];
	_ =	sdelay $0x1  }
0x8a: {  	s1 =	srdreg.scid  }
0x8b: {  	s0 =	sand.u32 $0x1, s1  }
0x8c: {  	s17 =	sshll.u32 s0, $0xA;
	s2 =	sadd.s32 s3, s2  }
0x8d: {  	s2 =	sadd.s32 s2, s17  }
0x8e: {  	[smem:$0x3FC6] =	sst s2  }
0x8f: {  	_ = 	snop  }
0x90: {  	s2 =	sld [smem:$0x3FC9]  }
0x91: {  	s18 =	sld [smem:$0x3FC8];
	(tm) =	ssettm $0x1  }
0x92: {  	s4 =	sld [smem:$0x3FFB];
	_ =	sdelay $0x3  }
0x93: {  	_ =	strace s4  }
0x94: {  	s4 =	sld [smem:$0x3FFC];
	_ =	sdelay $0x3  }
0x95: {  	_ =	strace s4  }
0x96: {  	s4 =	sld [smem:$0x3FFD];
	_ =	sdelay $0x3  }
0x97: {  	_ =	strace s4  }
0x98: {  	_ =	strace $0x8FFFFFFF  }
0x99: {  	s19 =	sld [smem:$0x3FDB];
	_ =	sdelay $0x1  }
0x9a: {  	s5 =	simm.s32 $_scs_section_size  }
0x9b: {  	s6 =	simm.s32 $_size__tile_overlayer_lowered;
	s7 =	simm.s32 $_tile_overlayer_lowered  }
0x9c: {  	s22 =	simm.s32 $0x1BFF;
	s21 =	sshll.u32 s7, $0x1;
	s4 =	sadd.s32 s5, s19  }
0x9d: {  	s8 =	simm.s32 $0x0;
	s20 =	sshll.u32 s6, $0x1;
	s6 =	sadd.s32 s21, s4  }
0x9e: {  	[timem:s8], [sflag:s22] =	dma.local [hbm:s6], s20  }
0x9f: {  	_ =	swait.ge [sflag:s22], s20  }
0xa0: {  	s5 =	ssub.s32 $0x0, s20;
	[sflag:s22] =	ssyncset.done $0x0  }
0xa1: {  	[sflag:s22] =	ssyncadd.s32 s5;
	_ =	sdelay $0x1  }
0xa2: {  	s23 =	simm.s32 $0x1B8B  }
0xa3: {  	_ =	swait.ge [sflag:s23], $0x1  }
0xa4: {  	[sflag:s23] =	ssyncset.done $0x0  }
0xa5: {  	s25 =	simm.s32 $0x1B8E;
	s24 =	sld [smem:$0x3FFE];
	[sflag:s23] =	ssyncadd.s32 $0xFFFFFFFF  }
0xa6: {  	s26 =	simm.s32 $execute0_lowered;
	[smem:$0x3FD2] =	sst s25  }
0xa7: {  	s6 =	sshll.u32 s26, $0x1;
	_ =	strace $0x80000046;
	[dreg:$0x1] =	wrdreg $0xFFFFFFFF  }
0xa8: {  	s28 =	simm.s32 $_size_execute0_lowered;
	s4 =	sadd.s32 s4, s6;
	[dreg:$0x0] =	wrdreg $0x0  }
0xa9: {  	s6 =	sshll.u32 s28, $0x1;
	[dreg:$0x2] =	wrdreg s4  }
0xaa: {  	[dreg:$0x3] =	wrdreg s6  }
0xab: {  	[dreg:$0x4] =	wrdreg $0xC0  }
0xac: {  	_ =	task [dreg:s8], $0x5FFFF  }
0xad: {  	[dreg:$0x1] =	wrdreg $0xFFFFFFFF  }
0xae: {  	[dreg:$0x0] =	wrdreg $0x60  }
0xaf: {  	[dreg:$0x2] =	wrdreg s2  }
0xb0: {  	[dreg:$0x3] =	wrdreg s18  }
0xb1: {  	[dreg:$0x4] =	wrdreg s24  }
0xb2: {  	[dreg:$0x5] =	wrdreg $0xFE000  }
0xb3: {  	[dreg:$0x6] =	wrdreg $0x9  }
0xb4: {  	_ =	task.clear_ibuf [dreg:s8], $0x7FFFF;
	_ =	strace $0x90000046  }
0xb5: {  	s29 =	simm.s32 $0x9;
	_ =	strace $0x80000048  }
0xb6: {  	_ =	swait.ge [sflag:s29], $0x1  }
0xb7: {  	[sflag:s29] =	ssyncadd.s32 $0xFFFFFFFF  }
0xb8: {  	_ =	strace $0x90000048  }
0xb9: {  	_ =	sfence  }
0xba: {  	s30 =	sld [smem:$0x0];
	_ =	sdelay $0x2  }
0xbb: {  	s31 =	sshll.u32 s1, $0xD;
	s1 =	sshrl.u32 s1, $0x2  }
0xbc: {  	s3 =	sand.u32 $0x4000, s31;
	s1 =	sadd.s32 s1, s30  }
0xbd: {  	s0 =	sor.u32 s3, s0;
	s1 =	sshll.u32 s1, $0x11  }
0xbe: {  	s0 =	sor.u32 s1, s0  }
0xbf: {  	s0 =	sadd.s32 $0x8F2B, s0  }
0xc0: {  	[sflag:s0] =	ssyncadd.remote.s32 $0x1  }
0xc1: {  	_ =	sfence.sel $0xFFFF  }
0xc2: {  	[dreg:$0x0] =	wrdreg $0xFFFFFFFF;
	(pc) =	sbr.abs _section_cstart, $3  }
0xc3: {  	[dreg:$0x1] =	wrdreg $0xFFFFFFFF  }
0xc4: {  	_ =	task.clear_ibuf [dreg:s8], $0x2FFFF;
	_ =	strace $0x9FFFFFFF  }
0xc5: {  	(tm) =	ssettm $0x7FFFFFFF  }
tec
execute0_lowered:
.L_overlay_start_1:
0x0: {  	(tag) =	ssettag $0x1  }
0x1: {  	s1 =	rddreg [dreg:$0x0]  }
0x2: {  	s3 =	rddreg [dreg:$0x1]  }
0x3: {  	s0 =	rddreg [dreg:$0x2]  }
0x4: {  	s4 =	rddreg [dreg:$0x3]  }
0x5: {  	s2 =	srdreg.scid;
	s9 =	stileid.u32;
	s5 =	simm.s32 $0x0  }
0x6: {  	s28 =	simm.s32 $0x2000;
	s2 =	sand.u32 $0x1, s2;
	s7 =	smul.u32 $0x1880, s9  }
0x7: {  	s29 =	simm.s32 $0x3000;
	s6 =	smul.u32 $0x18800, s2;
	s8 =	sshll.u32 s2, $0x4  }
0x8: {  	[smem:$0x7FF] =	sst s5;
	s2 =	ssub.s32 $0x2, s2;
	s8 =	sor.u32 s9, s8  }
0x9: {  	v0 =	vimm.s32 $0xF9F;
	vm0 =	vcmask $0x300;
	s19 =	sshrl.u32 s2, $0x1;
	s17 =	sadd.s32 s7, s6;
	s6 =	smul.u32 $0x30D40, s8  }
0xa: {  	s31 =	simm.s32 $0x1;
	v0 =	vsel vm0, $0xF91, v0;
	vm0 =	vcmask $0x704;
	_ =	strace $0x80000047;
	s2 =	ssub.s32 s2, s19  }
0xb: {  	v0 =	vsel vm0, $0xF92, v0;
	vm0 =	vcmask $0xB08;
	s18 =	sshrl.u32 s17, $0x3;
	s30 =	smax.u32 s2, $0x1;
	s20 =	sshrl.u32 s6, $0x3  }
0xc: {  	v1 =	vsel vm0, $0xF93, v0;
	vm0 =	vcmask $0xF0C;
	s0 =	sadd.s32 s18, s0;
	[dreg:$0xe] =	wrdreg s30;
	s11 =	sadd.s32 s3, s20  }
0xd: {  	v2 =	vimm.s32 $0x65432100;
	v1 =	vsel vm0, $0xF94, v1;
	vm0 =	vcmask $0x1310;
	s10 =	sadd.s32 $0x1F4, s20;
	s0 =	sadd.s32 $0x800, s0;
	[dreg:$0x5] =	wrdreg s11  }
0xe: {  	v3 =	vimm.s32 $0xEDCBA987;
	s7 =	sadd.s32 s7, s4;
	v1 =	vsel vm0, $0xF95, v1;
	vm0 =	vcmask $0x1714;
	s21 =	sadd.s32 s1, s10;
	[dreg:$0xd] =	wrdreg s0  }
0xf: {  	vm1 =	vcmask $0x3330;
	v1 =	vsel vm0, $0xF96, v1;
	vm0 =	vcmask $0x1B18;
	s22 =	sadd.s32 $0x2EE0, s20;
	s10 =	sadd.s32 s3, s10;
	[dreg:$0x6] =	wrdreg s21  }
0x10: {  	v3 =	vunpack.c.l.s4.s8 v3;
	s17 =	sadd.s32 $0x19640, s6;
	v1 =	vsel vm0, $0xF97, v1;
	vm0 =	vcmask $0x1F1C;
	s23 =	sadd.s32 s1, s22;
	[dreg:$0x7] =	wrdreg s10  }
0x11: {  	v2 =	vunpack.c.l.s4.s8 v2;
	s9 =	sadd.s32 $0x30D4, s20;
	s24 =	sadd.s32 s3, s22;
	v1 =	vsel vm0, $0xF98, v1;
	vm0 =	vcmask $0x2320;
	[dreg:$0x8] =	wrdreg s23  }
0x12: {  	v3 =	vunpack.c.0.s8.s32 v3;
	s8 =	sadd.s32 s1, s20;
	s25 =	sadd.s32 s1, s9;
	[dreg:$0x9] =	wrdreg s24;
	v1 =	vsel vm0, $0xF99, v1;
	vm0 =	vcmask $0x2724  }
.Ltmp0:
0x13: {  	v2 =	vunpack.c.0.s8.s32 v2;
	s26 =	sadd.s32 $0x61A6, s8;
	[dreg:$0xa] =	wrdreg s25;
	v1 =	vsel vm0, $0xF9A, v1;
	vm0 =	vcmask $0x2B28;
	(pc) =	sbr.rel .LBB2_1-.Ltmp0, $4  }
0x14: {  	v3 =	vand.u32 $0xF, v3;
	s20 =	simm.s32 $0xCD00;
	s9 =	sadd.s32 s3, s9;
	[dreg:$0xb] =	wrdreg s26;
	v4 =	vsel vm0, $0xF9B, v1;
	vm0 =	vcmask $0x2F2C  }
0x15: {  	vm2 =	vcmask $0x3734;
	s0 =	simm.s32 $0xFA0;
	s11 =	simm.s32 $0x0;
	[dreg:$0xc] =	wrdreg s9;
	v1 =	vcombine.low v2, v3;
	v2 =	vsel vm0, $0xF9C, v4  }
0x16: {  	v0 =	vimm.f32 $0.0e+00;
	s21 =	simm.s32 $0xB;
	s26 =	simm.s32 $0x1000;
	s23 =	simm.s32 $0x8;
	v3 =	vlaneseq.u32;
	v2 =	vsel vm1, $0xF9D, v2  }
0x17: {  	s24 =	simm.s32 $0x9;
	s25 =	simm.s32 $0xA;
	s10 =	simm.s32 $0x2;
	vm0 =	vcmask $0x3F3C;
	vm1 =	vmmov $0x1;
	v2 =	vsel vm2, $0xF9E, v2  }
.LBB2_37:
0x18: {  	s2 =	stileid.u32  }
0x19: {  	[bflag:$0x0] =	sbarrier.arrive $0xFFFF;
	s2 =	sshll.u32 s2, $0x6  }
0x1a: {  	s9 =	sshrl.u32 s7, $0x3;
	s12 =	rddreg [dreg:$0xd];
	s2 =	sor.u32 $0x1C0B, s2  }
0x1b: {  	[hbm:s12], [sflag:s2] =	dma.local [spmem:s9], $0x310  }
0x1c: {  	_ =	swait.ge [sflag:s21], $0x310  }
0x1d: {  	s11 =	sadd.s32 $0x1, s11;
	s30 =	rddreg [dreg:$0xe]  }
0x1e: {  	p0 =	sne.s32 s11, s30  }
.Ltmp1:
0x1f: {  	_ = 	snop;
	(pc) =	sbr.rel @!p0 .LBB2_38-.Ltmp1, $3  }
0x20: {  	_ =	sdelay $0x1  }
0x21: {  	[sflag:s21] =	ssyncset.done $0x0  }
0x22: {  	[sflag:s21] =	ssyncadd.s32 $0xFFFFFCF0  }
.LBB2_1:
0x23: {  	s12 =	simm.s32 $0x40;
	s13 =	simm.s32 $0x0  }
.LBB2_2:
0x24: {  	p0 =	sne.s32 s12, $0xC3C0;
	[tilespmem:s13+$0xCD00] =	vst v0;
	s13 =	smov.u32 s12;
	s12 =	sadd.s32 $0x40, s12  }
.Ltmp2:
0x25: {  	(pc) =	sbr.rel @p0 .LBB2_2-.Ltmp2, $2  }
0x26: {  	_ =	sdelay $0x2  }
0x27: {  	s13 =	sshra.s32 s13, $0x2  }
0x28: {  	[tilespmem:s13+$0xCD00] =	vst v0  }
0x29: {  	[spmem:s7] =	stream.linear.scatter [tilespmem:s20], [sflag:$0xB], $0x1880, $0x38;
	[tilespmem:$0x11680] =	vst v63  }
0x2a: {  	_ =	swait.ge [sflag:s21], $0x1880  }
0x2b: {  	[sflag:s21] =	ssyncset.done $0x0  }
0x2c: {  	[sflag:s21] =	ssyncadd.s32 $0xFFFFE780  }
0x2d: {  	s15 =	simm.s32 $0x0;
	s2 =	simm.s32 $0x4000;
	[bflag:$0x0] =	sbarrier.arrive $0xFFFF  }
0x2e: {  	[tilespmem:s2], [sflag:$0x3] =	stream.linear.gather [hbm4b:s8+s15], $0xFA0, $0x38;
	[tilespmem:$0x11680] =	vst v63  }
0x2f: {  	s9 =	simm.s32 $0x5000;
	s16 =	rddreg [dreg:$0x5]  }
0x30: {  	[tilespmem:s9], [sflag:$0x3] =	stream.linear.gather [hbm4b:s16+s15], $0xFA0, $0x38;
	[tilespmem:$0x11680] =	vst v63  }
0x31: {  	s19 =	simm.s32 $0x6000;
	s18 =	rddreg [dreg:$0x6]  }
0x32: {  	[tilespmem:s19], [sflag:$0x4] =	stream.linear.gather [hbm4b:s18+s15], $0xFA0, $0x38;
	[tilespmem:$0x11680] =	vst v63  }
0x33: {  	s30 =	simm.s32 $0x7000;
	s22 =	rddreg [dreg:$0x7]  }
0x34: {  	[tilespmem:s30], [sflag:$0x4] =	stream.linear.gather [hbm4b:s22+s15], $0xFA0, $0x38;
	[tilespmem:$0x11680] =	vst v63  }
0x35: {  	s12 =	rddreg [dreg:$0x8]  }
0x36: {  	[tilespmem:s15], [sflag:$0x1] =	stream.linear.gather [hbm4b:s12+s15], $0xFA0, $0x38;
	[tilespmem:$0x11680] =	vst v63  }
0x37: {  	s13 =	rddreg [dreg:$0x9]  }
0x38: {  	[tilespmem:s26], [sflag:$0x1] =	stream.linear.gather [hbm4b:s13+s15], $0xFA0, $0x38;
	[tilespmem:$0x11680] =	vst v63  }
0x39: {  	s14 =	rddreg [dreg:$0xa]  }
0x3a: {  	[tilespmem:s28], [sflag:$0x2] =	stream.linear.gather [hbm4b:s14+s15], $0xFA0, $0x38;
	[tilespmem:$0x11680] =	vst v63  }
0x3b: {  	s16 =	rddreg [dreg:$0xc]  }
0x3c: {  	[tilespmem:s29], [sflag:$0x2] =	stream.linear.gather [hbm4b:s16+s15], $0xFA0, $0x38;
	[tilespmem:$0x11680] =	vst v63  }
0x3d: {  	s18 =	simm.s32 $0xCC80  }
0x3e: {  	[tilespmem:s18], [sflag:$0xB] =	stream.linear.gather [hbm4b:s8+s15], $0x10, $0x38;
	[tilespmem:$0x11680] =	vst v63  }
0x3f: {  	_ =	swait.ge [sflag:s21], $0x10  }
0x40: {  	[sflag:s21] =	ssyncset.done $0x0  }
0x41: {  	[sflag:s21] =	ssyncadd.s32 $0xFFFFFFF0  }
0x42: {  	v4 =	vld [tilespmem:$0xCC80];
	_ =	sdelay $0x4  }
0x43: {  	(v2sf) =	vpush v4, $0x0;
	_ =	sdelay $0xc  }
0x44: {  	s19 =	rddreg [dreg:$0xb]  }
0x45: {  	[tilespmem:s18], [sflag:$0xB] =	stream.linear.gather [hbm4b:s19+s15], $0x10, $0x38;
	[tilespmem:$0x11680] =	vst v63  }
0x46: {  	s12 =	spop (v2sf)  }
0x47: {  	_ =	swait.ge [sflag:s21], $0x10  }
0x48: {  	[sflag:s21] =	ssyncset.done $0x0  }
0x49: {  	[sflag:s21] =	ssyncadd.s32 $0xFFFFFFF0  }
0x4a: {  	v4 =	vld [tilespmem:$0xCC80];
	_ =	sdelay $0x4  }
0x4b: {  	(v2sf) =	vpush v4, $0xF;
	_ =	sdelay $0xd  }
0x4c: {  	s22 =	smulhi.u32 $0x5397829D, s12;
	s14 =	sshra.s32 s12, $0x1F  }
0x4d: {  	s14 =	smul.u32 $0x5397829D, s14;
	s16 =	spop (v2sf)  }
0x4e: {  	s18 =	smulhi.u32 $0x5397829D, s16;
	s19 =	sshra.s32 s16, $0x1F  }
0x4f: {  	s13 =	sadd.s32 s14, s22;
	s19 =	smul.u32 $0x5397829D, s19  }
0x50: {  	s14 =	sshrl.u32 s13, $0x1F;
	s13 =	sshra.s32 s13, $0xA  }
0x51: {  	s13 =	sadd.s32 s14, s13;
	s18 =	sadd.s32 s19, s18  }
0x52: {  	s2 =	smul.u32 $0xFFFFF3C0, s13;
	s30 =	sshrl.u32 s18, $0x1F;
	s18 =	sshra.s32 s18, $0xA  }
0x53: {  	s9 =	ssub.s32 $0x0, s12;
	s14 =	sadd.s32 s30, s18  }
0x54: {  	p1 =	slt.s32 s12, $0x1;
	p0 =	sne.s32 s2, s9;
	s30 =	smul.u32 $0xFFFFF3C0, s14  }
0x55: {  	s12 =	simm.s32 $0x1;
	p0 =	por !p1, !p0;
	s22 =	ssub.s32 $0x0, s16  }
0x56: {  	p0 =	por !p0, !p0;
	p2 =	slt.s32 s16, $0x1;
	p6 =	sne.s32 s30, s22  }
0x57: {  	s12 =	simm.s32 @!p0 $0x0;
	p1 =	por !p2, !p6  }
.Ltmp3:
0x58: {  	s16 =	simm.s32 $0x1;
	p0 =	por !p1, !p1;
	(pc) =	sbr.rel .LBB2_4-.Ltmp3, $4  }
0x59: {  	s12 =	ssub.s32 s13, s12;
	s16 =	simm.s32 @!p0 $0x0  }
0x5a: {  	s30 =	smul.u32 $0xC40, s12;
	s13 =	ssub.s32 s14, s16  }
0x5b: {  	s14 =	ssub.s32 s13, s12  }
0x5c: {  	v4 =	vmov s30;
	p0 =	sgt.s32 s14, $0x3  }
.LBB2_19:
0x5d: {  	s18 =	sand.u32 $0x3, s15  }
0x5e: {  	p1 =	sne.s32 s18, $0x0  }
0x5f: {  	s16 =	simm.s32 @!p1 $0x3  }
0x60: {  	_ =	swait.ge @!p1 [sflag:s16], $0xFA0  }
0x61: {  	[sflag:s16] =	ssyncset.done @!p1 $0x0  }
0x62: {  	[sflag:s16] =	ssyncadd.s32 @!p1 $0xFFFFF060  }
0x63: {  	_ =	swait.ge @!p1 [sflag:s16], $0xFA0  }
0x64: {  	s19 =	simm.s32 @!p1 $0x4000;
	[sflag:s16] =	ssyncset.done @!p1 $0x0  }
0x65: {  	s30 =	simm.s32 @!p1 $0x5000;
	[sflag:s16] =	ssyncadd.s32 @!p1 $0xFFFFF060;
	s16 =	simm.s32 @!p1 $0xFA0  }
0x66: {  	[spmem:s4] =	stream.indirect.scatter.add.f32 @!p1 [tilespmem:s30], [sflag:$0x7], $0x1, s19, s16, $0xb8;
	[tilespmem:$0x11680] =	vst v63  }
0x67: {  	s16 =	sadd.s32 $0x2, s15  }
0x68: {  	p1 =	sgt.u32 s15, $0x15;
	s19 =	sand.u32 $0x3, s16  }
0x69: {  	p3 =	sne.s32 @!p1 s19, $0x0  }
0x6a: {  	p4 =	por p3, p1  }
0x6b: {  	p2 =	slt.u32 @!p4 s15, $0x2  }
0x6c: {  	p2 =	por @!p1 p2, p3  }
0x6d: {  	s2 =	smul.u32 @!p4 $0xFA0, s16;
	p2 =	por p2, p1  }
0x6e: {  	s30 =	simm.s32 @!p2 $0x7  }
0x6f: {  	p5 =	slt.u32 s15, $0x16;
	s2 =	sadd.s32 @!p4 s6, s2;
	_ =	swait.ge @!p2 [sflag:s30], $0xFA0  }
0x70: {  	s9 =	simm.s32 @!p4 $0x0;
	s2 =	sshrl.u32 @!p4 s2, $0x3;
	[sflag:s30] =	ssyncset.done @!p2 $0x0  }
0x71: {  	s22 =	simm.s32 @!p4 $0x4000;
	[sflag:s30] =	ssyncadd.s32 @!p2 $0xFFFFF060;
	s30 =	sadd.s32 @!p4 s1, s2  }
0x72: {  	[tilespmem:s22], [sflag:$0x3] =	stream.linear.gather @!p4 [hbm4b:s30+s9], $0xFA0, $0x38;
	[tilespmem:$0x11680] =	vst v63  }
0x73: {  	s2 =	sadd.s32 @!p4 s3, s2;
	p2 =	sne.s32 s18, $0x1;
	s22 =	simm.s32 @!p4 $0x5000  }
0x74: {  	[tilespmem:s22], [sflag:$0x3] =	stream.linear.gather @!p4 [hbm4b:s2+s9], $0xFA0, $0x38;
	[tilespmem:$0x11680] =	vst v63  }
0x75: {  	p3 =	por !p3, p1;
	s2 =	simm.s32 @!p2 $0x4;
	p4 =	por @!p4 $0x1, $0x1  }
0x76: {  	_ =	swait.ge @!p2 [sflag:s2], $0xFA0;
	p4 =	por @!p3 p5, p5  }
0x77: {  	[sflag:s2] =	ssyncset.done @!p2 $0x0;
	p5 =	por @!p1 p4, p4  }
0x78: {  	p4 =	sne.s32 s19, $0x1;
	[sflag:s2] =	ssyncadd.s32 @!p2 $0xFFFFF060;
	p1 =	por !p5, !p5  }
0x79: {  	s9 =	simm.s32 @!p2 $0x6000;
	_ =	swait.ge @!p2 [sflag:s2], $0xFA0;
	p3 =	por p1, p4  }
0x7a: {  	s22 =	simm.s32 @!p2 $0x7000;
	[sflag:s2] =	ssyncset.done @!p2 $0x0;
	p4 =	slt.u32 @!p3 s15, $0x2  }
0x7b: {  	[sflag:s2] =	ssyncadd.s32 @!p2 $0xFFFFF060;
	s2 =	simm.s32 @!p2 $0xFA0;
	p4 =	por p4, p3  }
0x7c: {  	[spmem:s4] =	stream.indirect.scatter.add.f32 @!p2 [tilespmem:s22], [sflag:$0x8], $0x1, s9, s2, $0xb8;
	[tilespmem:$0x11680] =	vst v63  }
0x7d: {  	s2 =	simm.s32 @!p4 $0x8;
	s9 =	smul.u32 @!p3 $0xFA0, s16  }
0x7e: {  	_ =	swait.ge @!p4 [sflag:s2], $0xFA0  }
0x7f: {  	[sflag:s2] =	ssyncset.done @!p4 $0x0;
	s9 =	sadd.s32 @!p3 s6, s9  }
0x80: {  	s18 =	simm.s32 @!p2 $0x1;
	[sflag:s2] =	ssyncadd.s32 @!p4 $0xFFFFF060;
	s2 =	sshrl.u32 @!p3 s9, $0x3  }
0x81: {  	s30 =	simm.s32 @!p3 $0x6000;
	s22 =	simm.s32 @!p3 $0x0;
	s9 =	sadd.s32 @!p3 s1, s2  }
0x82: {  	[tilespmem:s30], [sflag:$0x4] =	stream.linear.gather @!p3 [hbm4b:s9+s22], $0xFA0, $0x38;
	[tilespmem:$0x11680] =	vst v63  }
0x83: {  	p2 =	sne.s32 s18, $0x2;
	s2 =	sadd.s32 @!p3 s3, s2;
	s9 =	simm.s32 @!p3 $0x7000  }
0x84: {  	[tilespmem:s9], [sflag:$0x4] =	stream.linear.gather @!p3 [hbm4b:s2+s22], $0xFA0, $0x38;
	[tilespmem:$0x11680] =	vst v63  }
0x85: {  	s2 =	simm.s32 @!p2 $0x5  }
0x86: {  	_ =	swait.ge @!p2 [sflag:s2], $0xFA0  }
0x87: {  	s19 =	simm.s32 @!p3 $0x1;
	[sflag:s2] =	ssyncset.done @!p2 $0x0  }
0x88: {  	p3 =	sne.s32 s19, $0x2;
	[sflag:s2] =	ssyncadd.s32 @!p2 $0xFFFFF060  }
0x89: {  	s9 =	simm.s32 @!p2 $0x8000;
	p3 =	por p1, p3;
	_ =	swait.ge @!p2 [sflag:s2], $0xFA0  }
0x8a: {  	s22 =	simm.s32 @!p2 $0x9000;
	p4 =	slt.u32 @!p3 s15, $0x2;
	[sflag:s2] =	ssyncset.done @!p2 $0x0  }
0x8b: {  	p4 =	por p4, p3;
	[sflag:s2] =	ssyncadd.s32 @!p2 $0xFFFFF060;
	s2 =	simm.s32 @!p2 $0xFA0  }
0x8c: {  	[spmem:s4] =	stream.indirect.scatter.add.f32 @!p2 [tilespmem:s22], [sflag:$0x9], $0x1, s9, s2, $0xb8;
	[tilespmem:$0x11680] =	vst v63  }
0x8d: {  	s2 =	simm.s32 @!p4 $0x9;
	s9 =	smul.u32 @!p3 $0xFA0, s16  }
0x8e: {  	_ =	swait.ge @!p4 [sflag:s2], $0xFA0  }
0x8f: {  	[sflag:s2] =	ssyncset.done @!p4 $0x0;
	s9 =	sadd.s32 @!p3 s6, s9  }
0x90: {  	s18 =	simm.s32 @!p2 $0x2;
	[sflag:s2] =	ssyncadd.s32 @!p4 $0xFFFFF060;
	s2 =	sshrl.u32 @!p3 s9, $0x3  }
0x91: {  	s30 =	simm.s32 @!p3 $0x8000;
	s22 =	simm.s32 @!p3 $0x0;
	s9 =	sadd.s32 @!p3 s1, s2  }
0x92: {  	[tilespmem:s30], [sflag:$0x5] =	stream.linear.gather @!p3 [hbm4b:s9+s22], $0xFA0, $0x38;
	[tilespmem:$0x11680] =	vst v63  }
0x93: {  	p2 =	sne.s32 s18, $0x3;
	s2 =	sadd.s32 @!p3 s3, s2;
	s9 =	simm.s32 @!p3 $0x9000  }
0x94: {  	[tilespmem:s9], [sflag:$0x5] =	stream.linear.gather @!p3 [hbm4b:s2+s22], $0xFA0, $0x38;
	[tilespmem:$0x11680] =	vst v63  }
0x95: {  	s2 =	simm.s32 @!p2 $0x6  }
0x96: {  	_ =	swait.ge @!p2 [sflag:s2], $0xFA0  }
0x97: {  	[sflag:s2] =	ssyncset.done @!p2 $0x0  }
0x98: {  	s19 =	simm.s32 @!p3 $0x2;
	[sflag:s2] =	ssyncadd.s32 @!p2 $0xFFFFF060  }
0x99: {  	p6 =	sne.s32 s19, $0x3;
	_ =	swait.ge @!p2 [sflag:s2], $0xFA0  }
0x9a: {  	p1 =	por p1, p6;
	s18 =	simm.s32 @!p2 $0xB000;
	[sflag:s2] =	ssyncset.done @!p2 $0x0  }
0x9b: {  	s9 =	simm.s32 @!p2 $0xA000;
	[sflag:s2] =	ssyncadd.s32 @!p2 $0xFFFFF060;
	s2 =	simm.s32 @!p2 $0xFA0  }
0x9c: {  	[spmem:s4] =	stream.indirect.scatter.add.f32 @!p2 [tilespmem:s18], [sflag:$0xA], $0x1, s9, s2, $0xb8;
	[tilespmem:$0x11680] =	vst v63  }
0x9d: {  	p2 =	slt.u32 @!p1 s15, $0x2  }
0x9e: {  	p2 =	por p2, p1  }
0x9f: {  	s9 =	smul.u32 @!p1 $0xFA0, s16;
	s2 =	simm.s32 @!p2 $0xA  }
0xa0: {  	_ =	swait.ge @!p2 [sflag:s2], $0xFA0  }
0xa1: {  	s9 =	sadd.s32 @!p1 s6, s9;
	[sflag:s2] =	ssyncset.done @!p2 $0x0  }
0xa2: {  	[sflag:s2] =	ssyncadd.s32 @!p2 $0xFFFFF060;
	s2 =	sshrl.u32 @!p1 s9, $0x3  }
0xa3: {  	s16 =	simm.s32 @!p1 $0x0;
	s18 =	simm.s32 @!p1 $0xA000;
	s9 =	sadd.s32 @!p1 s1, s2  }
0xa4: {  	[tilespmem:s18], [sflag:$0x6] =	stream.linear.gather @!p1 [hbm4b:s9+s16], $0xFA0, $0x38;
	[tilespmem:$0x11680] =	vst v63  }
0xa5: {  	s2 =	sadd.s32 @!p1 s3, s2;
	s9 =	simm.s32 @!p1 $0xB000  }
0xa6: {  	[tilespmem:s9], [sflag:$0x6] =	stream.linear.gather @!p1 [hbm4b:s2+s16], $0xFA0, $0x38;
	[tilespmem:$0x11680] =	vst v63  }
.LBB2_20:
0xa7: {  	s15 =	sadd.s32 $0x1, s15  }
0xa8: {  	p1 =	sne.s32 s15, $0x1A  }
.Ltmp4:
0xa9: {  	_ = 	snop;
	(pc) =	sbr.rel @!p1 .LBB2_21-.Ltmp4, $1  }
0xaa: {  	_ =	sdelay $0x3  }
.LBB2_4:
0xab: {  	s16 =	sand.u32 $0x1, s15  }
0xac: {  	p1 =	seq.s32 s16, $0x1  }
.Ltmp5:
0xad: {  	_ = 	snop;
	(pc) =	sbr.rel @p1 .LBB2_12-.Ltmp5, $1  }
0xae: {  	_ =	sdelay $0x3  }
0xaf: {  	_ =	swait.ge [sflag:s31], $0xFA0  }
.Ltmp6:
0xb0: {  	[sflag:s31] =	ssyncset.done $0x0;
	(pc) =	sbr.rel @p0 .LBB2_9-.Ltmp6, $4  }
0xb1: {  	[sflag:s31] =	ssyncadd.s32 $0xFFFFF060  }
0xb2: {  	_ =	swait.ge [sflag:s31], $0xFA0  }
0xb3: {  	[sflag:s31] =	ssyncset.done $0x0  }
0xb4: {  	[sflag:s31] =	ssyncadd.s32 $0xFFFFF060  }
0xb5: {  	v5 =	vld [tilespmem:$0x1000];
	_ =	sdelay $0x4  }
0xb6: {  	(xrf2) =	vadd.scan.msk.f32 $0xffff, v5  }
0xb7: {  	v6 =	vld [tilespmem:$0x0]  }
0xb8: {  	s16 =	simm.s32 $0x0;
	v7 =	vld [tilespmem:$0x1]  }
0xb9: {  	v8 =	vld.idx.msk [tilespmem:v1+s16+$0x0], $0xffff;
	_ =	sdelay $0x3  }
0xba: {  	vm2 =	vne.s32 v6, v7  }
0xbb: {  	vm2 =	vmor vm2, vm0;
	vm3 =	vne.s32 v6, v8  }
0xbc: {  	v6 =	vsub.s32 v6, v4;
	vm3 =	vmor vm3, vm1  }
0xbd: {  	v7, _, _ =	vpop (xrf2)  }
0xbe: {  	v5 =	vsub.f32 v5, v7;
	_ =	sdelay $0x1  }
0xbf: {  	v5 =	vadd.f32 $0.0e+00, v5  }
0xc0: {  	[tilespmem:v6+s20+$0x0] =	vst.idx.add.f32.msk vm2, v7  }
0xc1: {  	s30 =	simm.s32 $0x0;
	[tilespmem:v6+s20+$0x0] =	vst.idx.add.f32.msk vm3, v5  }
0xc2: {  	v5 =	vld [tilespmem:s30+$0x1010];
	_ =	sdelay $0x4  }
0xc3: {  	(xrf2) =	vadd.scan.msk.f32 $0xffff, v5  }
0xc4: {  	v6 =	vld [tilespmem:s30+$0x11]  }
0xc5: {  	v7 =	vld [tilespmem:s30+$0x10]  }
0xc6: {  	v8 =	vld [tilespmem:s30+$0xF];
	_ =	sdelay $0x3  }
0xc7: {  	vm2 =	vne.s32 v7, v6  }
0xc8: {  	vm3 =	vne.s32 v7, v8;
	vm2 =	vmor vm2, vm0  }
0xc9: {  	v6 =	vsub.s32 v7, v4;
	vm3 =	vmor vm3, vm1  }
0xca: {  	v7, _, _ =	vpop (xrf2)  }
0xcb: {  	v5 =	vsub.f32 v5, v7;
	_ =	sdelay $0x1  }
0xcc: {  	v5 =	vadd.f32 $0.0e+00, v5  }
0xcd: {  	[tilespmem:v6+s20+$0x0] =	vst.idx.add.f32.msk vm2, v7  }
0xce: {  	[tilespmem:v6+s20+$0x0] =	vst.idx.add.f32.msk vm3, v5  }
0xcf: {  	v5 =	vld [tilespmem:s30+$0x1020];
	_ =	sdelay $0x4  }
0xd0: {  	(xrf2) =	vadd.scan.msk.f32 $0xffff, v5  }
0xd1: {  	v6 =	vld [tilespmem:s30+$0x21]  }
0xd2: {  	v7 =	vld [tilespmem:s30+$0x20]  }
0xd3: {  	v8 =	vld [tilespmem:s30+$0x1F];
	_ =	sdelay $0x3  }
0xd4: {  	vm2 =	vne.s32 v7, v6  }
0xd5: {  	vm3 =	vne.s32 v7, v8;
	vm2 =	vmor vm2, vm0  }
0xd6: {  	v6 =	vsub.s32 v7, v4;
	vm3 =	vmor vm3, vm1  }
0xd7: {  	v7, _, _ =	vpop (xrf2)  }
0xd8: {  	v5 =	vsub.f32 v5, v7;
	_ =	sdelay $0x1  }
0xd9: {  	v5 =	vadd.f32 $0.0e+00, v5  }
0xda: {  	[tilespmem:v6+s20+$0x0] =	vst.idx.add.f32.msk vm2, v7  }
0xdb: {  	[tilespmem:v6+s20+$0x0] =	vst.idx.add.f32.msk vm3, v5  }
0xdc: {  	v5 =	vld [tilespmem:s30+$0x1030];
	_ =	sdelay $0x4  }
0xdd: {  	(xrf2) =	vadd.scan.msk.f32 $0xffff, v5  }
0xde: {  	v6 =	vld [tilespmem:s30+$0x30]  }
0xdf: {  	v7 =	vld [tilespmem:s30+$0x31]  }
0xe0: {  	v8 =	vld [tilespmem:s30+$0x2F];
	_ =	sdelay $0x3  }
0xe1: {  	vm2 =	vne.s32 v6, v7  }
0xe2: {  	vm3 =	vne.s32 v6, v8;
	vm2 =	vmor vm2, vm0  }
0xe3: {  	v6 =	vsub.s32 v6, v4;
	vm3 =	vmor vm3, vm1  }
0xe4: {  	v7, _, _ =	vpop (xrf2)  }
0xe5: {  	v5 =	vsub.f32 v5, v7;
	_ =	sdelay $0x1  }
0xe6: {  	v5 =	vadd.f32 $0.0e+00, v5  }
0xe7: {  	[tilespmem:v6+s20+$0x0] =	vst.idx.add.f32.msk vm2, v7  }
0xe8: {  	[tilespmem:v6+s20+$0x0] =	vst.idx.add.f32.msk vm3, v5  }
0xe9: {  	v6 =	vld [tilespmem:s30+$0x1040];
	_ =	sdelay $0x4  }
0xea: {  	v7 =	vld [tilespmem:s30+$0x40];
	(xrf2) =	vadd.scan.msk.f32 $0xffff, v6  }
0xeb: {  	v5 =	vld [tilespmem:s30+$0x41];
	_ =	sdelay $0x1  }
0xec: {  	v8 =	vld [tilespmem:s30+$0x3F];
	_ =	sdelay $0x2  }
0xed: {  	vm2 =	vne.s32 v7, v5  }
0xee: {  	vm3 =	vmor vm2, vm0  }
0xef: {  	v5 =	vsub.s32 v7, v4;
	vm2 =	vne.s32 v7, v8  }
0xf0: {  	vm2 =	vmor vm2, vm1  }
0xf1: {  	v9, _, _ =	vpop (xrf2)  }
0xf2: {  	v6 =	vsub.f32 v6, v9;
	_ =	sdelay $0x1  }
0xf3: {  	s16 =	simm.s32 $0x100;
	[tilespmem:v5+s20+$0x0] =	vst.idx.add.f32.msk vm3, v9;
	v6 =	vadd.f32 $0.0e+00, v6  }
.LBB2_7:
0xf4: {  	p1 =	sne.s32 s16, $0x3D00;
	s18 =	smov.u32 s16;
	s16 =	sadd.s32 $0x100, s16  }
0xf5: {  	s18 =	sshra.s32 s18, $0x2;
	[tilespmem:v5+s20+$0x0] =	vst.idx.add.f32.msk vm2, v6  }
0xf6: {  	v5 =	vld [tilespmem:s18+$0x1010];
	_ =	sdelay $0x4  }
0xf7: {  	v6 =	vld [tilespmem:s18+$0xF];
	(xrf2) =	vadd.scan.msk.f32 $0xffff, v5  }
0xf8: {  	v7 =	vld [tilespmem:s18+$0x11]  }
0xf9: {  	v8 =	vld [tilespmem:s18+$0x10];
	_ =	sdelay $0x4  }
0xfa: {  	vm2 =	vne.s32 v8, v7;
	vm3 =	vne.s32 v8, v6  }
0xfb: {  	vm2 =	vmor vm2, vm0  }
0xfc: {  	v6 =	vsub.s32 v8, v4;
	vm3 =	vmor vm3, vm1  }
0xfd: {  	v7, _, _ =	vpop (xrf2)  }
0xfe: {  	v5 =	vsub.f32 v5, v7;
	_ =	sdelay $0x1  }
0xff: {  	v5 =	vadd.f32 $0.0e+00, v5  }
0x100: {  	[tilespmem:v6+s20+$0x0] =	vst.idx.add.f32.msk vm2, v7  }
0x101: {  	[tilespmem:v6+s20+$0x0] =	vst.idx.add.f32.msk vm3, v5  }
0x102: {  	v5 =	vld [tilespmem:s18+$0x1020];
	_ =	sdelay $0x4  }
0x103: {  	v6 =	vld [tilespmem:s18+$0x21];
	(xrf2) =	vadd.scan.msk.f32 $0xffff, v5  }
0x104: {  	v7 =	vld [tilespmem:s18+$0x1F]  }
0x105: {  	v8 =	vld [tilespmem:s18+$0x20];
	_ =	sdelay $0x4  }
0x106: {  	vm2 =	vne.s32 v8, v6;
	vm3 =	vne.s32 v8, v7  }
0x107: {  	vm2 =	vmor vm2, vm0  }
0x108: {  	v6 =	vsub.s32 v8, v4;
	vm3 =	vmor vm3, vm1  }
0x109: {  	v7, _, _ =	vpop (xrf2)  }
0x10a: {  	v5 =	vsub.f32 v5, v7;
	_ =	sdelay $0x1  }
0x10b: {  	v5 =	vadd.f32 $0.0e+00, v5  }
0x10c: {  	[tilespmem:v6+s20+$0x0] =	vst.idx.add.f32.msk vm2, v7  }
0x10d: {  	[tilespmem:v6+s20+$0x0] =	vst.idx.add.f32.msk vm3, v5  }
0x10e: {  	v5 =	vld [tilespmem:s18+$0x30]  }
0x10f: {  	v6 =	vld [tilespmem:s18+$0x1030]  }
0x110: {  	v7 =	vld [tilespmem:s18+$0x31]  }
0x111: {  	v8 =	vld [tilespmem:s18+$0x2F];
	_ =	sdelay $0x2  }
0x112: {  	(xrf2) =	vadd.scan.msk.f32 $0xffff, v6  }
0x113: {  	vm2 =	vne.s32 v5, v7  }
0x114: {  	vm3 =	vne.s32 v5, v8;
	_ =	sdelay $0x2  }
0x115: {  	vm2 =	vmor vm2, vm0  }
0x116: {  	v5 =	vsub.s32 v5, v4;
	_ =	sdelay $0x1  }
0x117: {  	vm3 =	vmor vm3, vm1;
	_ =	sdelay $0x1  }
0x118: {  	v7, _, _ =	vpop (xrf2)  }
0x119: {  	[tilespmem:v5+s20+$0x0] =	vst.idx.add.f32.msk vm2, v7;
	v6 =	vsub.f32 v6, v7;
	_ =	sdelay $0x1  }
0x11a: {  	v6 =	vadd.f32 $0.0e+00, v6;
	_ =	sdelay $0x1  }
0x11b: {  	[tilespmem:v5+s20+$0x0] =	vst.idx.add.f32.msk vm3, v6  }
0x11c: {  	v6 =	vld [tilespmem:s18+$0x1040]  }
0x11d: {  	v7 =	vld [tilespmem:s18+$0x40]  }
0x11e: {  	v5 =	vld [tilespmem:s18+$0x41]  }
0x11f: {  	v8 =	vld [tilespmem:s18+$0x3F];
	_ =	sdelay $0x1  }
0x120: {  	(xrf2) =	vadd.scan.msk.f32 $0xffff, v6;
	_ =	sdelay $0x1  }
0x121: {  	vm2 =	vne.s32 v7, v5;
	_ =	sdelay $0x2  }
0x122: {  	vm3 =	vmor vm2, vm0  }
0x123: {  	v5 =	vsub.s32 v7, v4  }
0x124: {  	vm2 =	vne.s32 v7, v8  }
0x125: {  	vm2 =	vmor vm2, vm1  }
.Ltmp7:
0x126: {  	(pc) =	sbr.rel @p1 .LBB2_7-.Ltmp7, $3  }
0x127: {  	v7, _, _ =	vpop (xrf2)  }
0x128: {  	[tilespmem:v5+s20+$0x0] =	vst.idx.add.f32.msk vm3, v7;
	v6 =	vsub.f32 v6, v7;
	_ =	sdelay $0x1  }
0x129: {  	v6 =	vadd.f32 $0.0e+00, v6  }
0x12a: {  	_ =	sdelay $0x4  }
0x12b: {  	[tilespmem:v5+s20+$0x0] =	vst.idx.add.f32.msk vm2, v6  }
0x12c: {  	v5 =	vld [tilespmem:$0x1F90];
	_ =	sdelay $0x4  }
0x12d: {  	(xrf2) =	vadd.scan.msk.f32 $0xffff, v5  }
0x12e: {  	v6 =	vld [tilespmem:$0xF90]  }
0x12f: {  	v7 =	vld.idx.msk [tilespmem:v2+s5+$0x0], $0xffff  }
0x130: {  	v8 =	vld [tilespmem:$0xF8F];
	_ =	sdelay $0x3  }
0x131: {  	vm2 =	vne.s32 v6, v7  }
0x132: {  	vm3 =	vne.s32 v6, v8;
	vm2 =	vmor vm2, vm0  }
0x133: {  	v6 =	vsub.s32 v6, v4;
	vm3 =	vmor vm3, vm1  }
0x134: {  	v7, _, _ =	vpop (xrf2)  }
.Ltmp8:
0x135: {  	v5 =	vsub.f32 v5, v7;
	(pc) =	sbr.rel .LBB2_10-.Ltmp8, $4  }
0x136: {  	_ = 	snop  }
0x137: {  	v5 =	vadd.f32 $0.0e+00, v5  }
0x138: {  	[tilespmem:v6+s20+$0x0] =	vst.idx.add.f32.msk vm2, v7  }
0x139: {  	[tilespmem:v6+s20+$0x0] =	vst.idx.add.f32.msk vm3, v5  }
.LBB2_12:
0x13a: {  	_ =	swait.ge [sflag:s10], $0xFA0  }
.Ltmp9:
0x13b: {  	[sflag:s10] =	ssyncset.done $0x0;
	(pc) =	sbr.rel @p0 .LBB2_16-.Ltmp9, $4  }
0x13c: {  	[sflag:s10] =	ssyncadd.s32 $0xFFFFF060  }
0x13d: {  	_ =	swait.ge [sflag:s10], $0xFA0  }
0x13e: {  	[sflag:s10] =	ssyncset.done $0x0  }
0x13f: {  	[sflag:s10] =	ssyncadd.s32 $0xFFFFF060  }
0x140: {  	v5 =	vld [tilespmem:$0x3000];
	_ =	sdelay $0x4  }
0x141: {  	(xrf2) =	vadd.scan.msk.f32 $0xffff, v5  }
0x142: {  	v6 =	vld [tilespmem:$0x2000]  }
0x143: {  	v7 =	vld [tilespmem:$0x2001]  }
0x144: {  	v8 =	vld.idx.msk [tilespmem:v1+s28+$0x0], $0xffff;
	_ =	sdelay $0x3  }
0x145: {  	vm2 =	vne.s32 v6, v7  }
0x146: {  	vm3 =	vne.s32 v6, v8;
	vm2 =	vmor vm2, vm0  }
0x147: {  	v6 =	vsub.s32 v6, v4;
	vm3 =	vmor vm3, vm1  }
0x148: {  	v7, _, _ =	vpop (xrf2)  }
0x149: {  	v5 =	vsub.f32 v5, v7;
	_ =	sdelay $0x1  }
0x14a: {  	v5 =	vadd.f32 $0.0e+00, v5  }
0x14b: {  	[tilespmem:v6+s20+$0x0] =	vst.idx.add.f32.msk vm2, v7  }
0x14c: {  	s16 =	simm.s32 $0x0;
	[tilespmem:v6+s20+$0x0] =	vst.idx.add.f32.msk vm3, v5  }
0x14d: {  	v5 =	vld [tilespmem:s16+$0x3010];
	_ =	sdelay $0x4  }
0x14e: {  	(xrf2) =	vadd.scan.msk.f32 $0xffff, v5  }
0x14f: {  	v6 =	vld [tilespmem:s16+$0x2011]  }
0x150: {  	v7 =	vld [tilespmem:s16+$0x2010]  }
0x151: {  	v8 =	vld [tilespmem:s16+$0x200F];
	_ =	sdelay $0x3  }
0x152: {  	vm2 =	vne.s32 v7, v6  }
0x153: {  	vm3 =	vne.s32 v7, v8;
	vm2 =	vmor vm2, vm0  }
0x154: {  	v6 =	vsub.s32 v7, v4;
	vm3 =	vmor vm3, vm1  }
0x155: {  	v7, _, _ =	vpop (xrf2)  }
0x156: {  	v5 =	vsub.f32 v5, v7;
	_ =	sdelay $0x1  }
0x157: {  	v5 =	vadd.f32 $0.0e+00, v5  }
0x158: {  	[tilespmem:v6+s20+$0x0] =	vst.idx.add.f32.msk vm2, v7  }
0x159: {  	[tilespmem:v6+s20+$0x0] =	vst.idx.add.f32.msk vm3, v5  }
0x15a: {  	v5 =	vld [tilespmem:s16+$0x3020];
	_ =	sdelay $0x4  }
0x15b: {  	(xrf2) =	vadd.scan.msk.f32 $0xffff, v5  }
0x15c: {  	v6 =	vld [tilespmem:s16+$0x2021]  }
0x15d: {  	v7 =	vld [tilespmem:s16+$0x2020]  }
0x15e: {  	v8 =	vld [tilespmem:s16+$0x201F];
	_ =	sdelay $0x3  }
0x15f: {  	vm2 =	vne.s32 v7, v6  }
0x160: {  	vm3 =	vne.s32 v7, v8;
	vm2 =	vmor vm2, vm0  }
0x161: {  	v6 =	vsub.s32 v7, v4;
	vm3 =	vmor vm3, vm1  }
0x162: {  	v7, _, _ =	vpop (xrf2)  }
0x163: {  	v5 =	vsub.f32 v5, v7;
	_ =	sdelay $0x1  }
0x164: {  	v5 =	vadd.f32 $0.0e+00, v5  }
0x165: {  	[tilespmem:v6+s20+$0x0] =	vst.idx.add.f32.msk vm2, v7  }
0x166: {  	[tilespmem:v6+s20+$0x0] =	vst.idx.add.f32.msk vm3, v5  }
0x167: {  	v5 =	vld [tilespmem:s16+$0x3030];
	_ =	sdelay $0x4  }
0x168: {  	(xrf2) =	vadd.scan.msk.f32 $0xffff, v5  }
0x169: {  	v6 =	vld [tilespmem:s16+$0x2030]  }
0x16a: {  	v7 =	vld [tilespmem:s16+$0x2031]  }
0x16b: {  	v8 =	vld [tilespmem:s16+$0x202F];
	_ =	sdelay $0x3  }
0x16c: {  	vm2 =	vne.s32 v6, v7  }
0x16d: {  	vm3 =	vne.s32 v6, v8;
	vm2 =	vmor vm2, vm0  }
0x16e: {  	v6 =	vsub.s32 v6, v4;
	vm3 =	vmor vm3, vm1  }
0x16f: {  	v7, _, _ =	vpop (xrf2)  }
0x170: {  	v5 =	vsub.f32 v5, v7;
	_ =	sdelay $0x1  }
0x171: {  	v5 =	vadd.f32 $0.0e+00, v5  }
0x172: {  	[tilespmem:v6+s20+$0x0] =	vst.idx.add.f32.msk vm2, v7  }
0x173: {  	[tilespmem:v6+s20+$0x0] =	vst.idx.add.f32.msk vm3, v5  }
0x174: {  	v6 =	vld [tilespmem:s16+$0x3040];
	_ =	sdelay $0x4  }
0x175: {  	v7 =	vld [tilespmem:s16+$0x2040];
	(xrf2) =	vadd.scan.msk.f32 $0xffff, v6  }
0x176: {  	v5 =	vld [tilespmem:s16+$0x2041];
	_ =	sdelay $0x1  }
0x177: {  	v8 =	vld [tilespmem:s16+$0x203F];
	_ =	sdelay $0x2  }
0x178: {  	vm2 =	vne.s32 v7, v5  }
0x179: {  	vm3 =	vmor vm2, vm0  }
0x17a: {  	v5 =	vsub.s32 v7, v4;
	vm2 =	vne.s32 v7, v8  }
0x17b: {  	vm2 =	vmor vm2, vm1  }
0x17c: {  	v9, _, _ =	vpop (xrf2)  }
0x17d: {  	v6 =	vsub.f32 v6, v9;
	_ =	sdelay $0x1  }
0x17e: {  	s16 =	simm.s32 $0x100;
	[tilespmem:v5+s20+$0x0] =	vst.idx.add.f32.msk vm3, v9;
	v6 =	vadd.f32 $0.0e+00, v6  }
.LBB2_14:
0x17f: {  	p1 =	sne.s32 s16, $0x3D00;
	s18 =	smov.u32 s16;
	s16 =	sadd.s32 $0x100, s16  }
0x180: {  	s18 =	sshra.s32 s18, $0x2;
	[tilespmem:v5+s20+$0x0] =	vst.idx.add.f32.msk vm2, v6  }
0x181: {  	v5 =	vld [tilespmem:s18+$0x3010];
	_ =	sdelay $0x4  }
0x182: {  	v6 =	vld [tilespmem:s18+$0x200F];
	(xrf2) =	vadd.scan.msk.f32 $0xffff, v5  }
0x183: {  	v7 =	vld [tilespmem:s18+$0x2011]  }
0x184: {  	v8 =	vld [tilespmem:s18+$0x2010];
	_ =	sdelay $0x4  }
0x185: {  	vm2 =	vne.s32 v8, v7;
	vm3 =	vne.s32 v8, v6  }
0x186: {  	vm2 =	vmor vm2, vm0  }
0x187: {  	v6 =	vsub.s32 v8, v4;
	vm3 =	vmor vm3, vm1  }
0x188: {  	v7, _, _ =	vpop (xrf2)  }
0x189: {  	v5 =	vsub.f32 v5, v7;
	_ =	sdelay $0x1  }
0x18a: {  	v5 =	vadd.f32 $0.0e+00, v5  }
0x18b: {  	[tilespmem:v6+s20+$0x0] =	vst.idx.add.f32.msk vm2, v7  }
0x18c: {  	[tilespmem:v6+s20+$0x0] =	vst.idx.add.f32.msk vm3, v5  }
0x18d: {  	v5 =	vld [tilespmem:s18+$0x3020];
	_ =	sdelay $0x4  }
0x18e: {  	v6 =	vld [tilespmem:s18+$0x2021];
	(xrf2) =	vadd.scan.msk.f32 $0xffff, v5  }
0x18f: {  	v7 =	vld [tilespmem:s18+$0x201F]  }
0x190: {  	v8 =	vld [tilespmem:s18+$0x2020];
	_ =	sdelay $0x4  }
0x191: {  	vm2 =	vne.s32 v8, v6;
	vm3 =	vne.s32 v8, v7  }
0x192: {  	vm2 =	vmor vm2, vm0  }
0x193: {  	v6 =	vsub.s32 v8, v4;
	vm3 =	vmor vm3, vm1  }
0x194: {  	v7, _, _ =	vpop (xrf2)  }
0x195: {  	v5 =	vsub.f32 v5, v7;
	_ =	sdelay $0x1  }
0x196: {  	v5 =	vadd.f32 $0.0e+00, v5  }
0x197: {  	[tilespmem:v6+s20+$0x0] =	vst.idx.add.f32.msk vm2, v7  }
0x198: {  	[tilespmem:v6+s20+$0x0] =	vst.idx.add.f32.msk vm3, v5  }
0x199: {  	v5 =	vld [tilespmem:s18+$0x2030]  }
0x19a: {  	v6 =	vld [tilespmem:s18+$0x3030]  }
0x19b: {  	v7 =	vld [tilespmem:s18+$0x2031]  }
0x19c: {  	v8 =	vld [tilespmem:s18+$0x202F];
	_ =	sdelay $0x2  }
0x19d: {  	(xrf2) =	vadd.scan.msk.f32 $0xffff, v6  }
0x19e: {  	vm2 =	vne.s32 v5, v7  }
0x19f: {  	vm3 =	vne.s32 v5, v8;
	_ =	sdelay $0x2  }
0x1a0: {  	vm2 =	vmor vm2, vm0  }
0x1a1: {  	v5 =	vsub.s32 v5, v4;
	_ =	sdelay $0x1  }
0x1a2: {  	vm3 =	vmor vm3, vm1;
	_ =	sdelay $0x1  }
0x1a3: {  	v7, _, _ =	vpop (xrf2)  }
0x1a4: {  	[tilespmem:v5+s20+$0x0] =	vst.idx.add.f32.msk vm2, v7;
	v6 =	vsub.f32 v6, v7;
	_ =	sdelay $0x1  }
0x1a5: {  	v6 =	vadd.f32 $0.0e+00, v6;
	_ =	sdelay $0x1  }
0x1a6: {  	[tilespmem:v5+s20+$0x0] =	vst.idx.add.f32.msk vm3, v6  }
0x1a7: {  	v6 =	vld [tilespmem:s18+$0x3040]  }
0x1a8: {  	v7 =	vld [tilespmem:s18+$0x2040]  }
0x1a9: {  	v5 =	vld [tilespmem:s18+$0x2041]  }
0x1aa: {  	v8 =	vld [tilespmem:s18+$0x203F];
	_ =	sdelay $0x1  }
0x1ab: {  	(xrf2) =	vadd.scan.msk.f32 $0xffff, v6;
	_ =	sdelay $0x1  }
0x1ac: {  	vm2 =	vne.s32 v7, v5;
	_ =	sdelay $0x2  }
0x1ad: {  	vm3 =	vmor vm2, vm0  }
0x1ae: {  	v5 =	vsub.s32 v7, v4  }
0x1af: {  	vm2 =	vne.s32 v7, v8  }
0x1b0: {  	vm2 =	vmor vm2, vm1  }
.Ltmp10:
0x1b1: {  	(pc) =	sbr.rel @p1 .LBB2_14-.Ltmp10, $3  }
0x1b2: {  	v7, _, _ =	vpop (xrf2)  }
0x1b3: {  	[tilespmem:v5+s20+$0x0] =	vst.idx.add.f32.msk vm3, v7;
	v6 =	vsub.f32 v6, v7;
	_ =	sdelay $0x1  }
0x1b4: {  	v6 =	vadd.f32 $0.0e+00, v6  }
0x1b5: {  	_ =	sdelay $0x4  }
0x1b6: {  	[tilespmem:v5+s20+$0x0] =	vst.idx.add.f32.msk vm2, v6  }
0x1b7: {  	v5 =	vld [tilespmem:$0x3F90];
	_ =	sdelay $0x4  }
0x1b8: {  	(xrf2) =	vadd.scan.msk.f32 $0xffff, v5  }
0x1b9: {  	v6 =	vld [tilespmem:$0x2F90]  }
0x1ba: {  	v7 =	vld.idx.msk [tilespmem:v2+s28+$0x0], $0xffff  }
0x1bb: {  	v8 =	vld [tilespmem:$0x2F8F];
	_ =	sdelay $0x3  }
0x1bc: {  	vm2 =	vne.s32 v6, v7  }
0x1bd: {  	vm3 =	vne.s32 v6, v8;
	vm2 =	vmor vm2, vm0  }
0x1be: {  	v6 =	vsub.s32 v6, v4;
	vm3 =	vmor vm3, vm1  }
0x1bf: {  	v7, _, _ =	vpop (xrf2)  }
.Ltmp11:
0x1c0: {  	v5 =	vsub.f32 v5, v7;
	(pc) =	sbr.rel .LBB2_17-.Ltmp11, $4  }
0x1c1: {  	_ = 	snop  }
0x1c2: {  	v5 =	vadd.f32 $0.0e+00, v5  }
0x1c3: {  	[tilespmem:v6+s20+$0x0] =	vst.idx.add.f32.msk vm2, v7  }
0x1c4: {  	[tilespmem:v6+s20+$0x0] =	vst.idx.add.f32.msk vm3, v5  }
.LBB2_9:
0x1c5: {  	[spmem:s4] =	stream.indirect.scatter.add.f32 [tilespmem:s26], [sflag:$0xB], $0x1, s5, s0, $0xb8;
	[tilespmem:$0x11680] =	vst v63  }
0x1c6: {  	_ =	swait.ge [sflag:s21], $0xFA0  }
0x1c7: {  	[sflag:s21] =	ssyncset.done $0x0  }
0x1c8: {  	[sflag:s21] =	ssyncadd.s32 $0xFFFFF060  }
.LBB2_10:
0x1c9: {  	p1 =	sgt.u32 s15, $0x17  }
.Ltmp12:
0x1ca: {  	_ = 	snop;
	(pc) =	sbr.rel @p1 .LBB2_20-.Ltmp12, $1  }
0x1cb: {  	_ =	sdelay $0x3  }
0x1cc: {  	s16 =	smul.u32 $0xFA0, s15;
	_ =	sdelay $0x1  }
0x1cd: {  	s16 =	sadd.s32 s16, s17  }
.Ltmp13:
0x1ce: {  	s16 =	sshrl.u32 s16, $0x3;
	(pc) =	sbr.rel .LBB2_19-.Ltmp13, $4  }
0x1cf: {  	s18 =	sadd.s32 s1, s16  }
0x1d0: {  	[tilespmem:s5], [sflag:$0x1] =	stream.linear.gather [hbm4b:s18+s5], $0xFA0, $0x38;
	[tilespmem:$0x11680] =	vst v63  }
0x1d1: {  	s16 =	sadd.s32 s3, s16  }
0x1d2: {  	[tilespmem:s26], [sflag:$0x1] =	stream.linear.gather [hbm4b:s16+s5], $0xFA0, $0x38;
	[tilespmem:$0x11680] =	vst v63  }
.LBB2_16:
0x1d3: {  	[spmem:s4] =	stream.indirect.scatter.add.f32 [tilespmem:s29], [sflag:$0xB], $0x1, s28, s0, $0xb8;
	[tilespmem:$0x11680] =	vst v63  }
0x1d4: {  	_ =	swait.ge [sflag:s21], $0xFA0  }
0x1d5: {  	[sflag:s21] =	ssyncset.done $0x0  }
0x1d6: {  	[sflag:s21] =	ssyncadd.s32 $0xFFFFF060  }
.LBB2_17:
0x1d7: {  	p1 =	sgt.u32 s15, $0x17  }
.Ltmp14:
0x1d8: {  	_ = 	snop;
	(pc) =	sbr.rel @p1 .LBB2_20-.Ltmp14, $1  }
0x1d9: {  	_ =	sdelay $0x3  }
0x1da: {  	s16 =	smul.u32 $0xFA0, s15;
	_ =	sdelay $0x1  }
0x1db: {  	s16 =	sadd.s32 s16, s17  }
.Ltmp15:
0x1dc: {  	s16 =	sshrl.u32 s16, $0x3;
	(pc) =	sbr.rel .LBB2_19-.Ltmp15, $4  }
0x1dd: {  	s18 =	sadd.s32 s1, s16  }
0x1de: {  	[tilespmem:s28], [sflag:$0x2] =	stream.linear.gather [hbm4b:s18+s5], $0xFA0, $0x38;
	[tilespmem:$0x11680] =	vst v63  }
0x1df: {  	s16 =	sadd.s32 s3, s16  }
0x1e0: {  	[tilespmem:s29], [sflag:$0x2] =	stream.linear.gather [hbm4b:s16+s5], $0xFA0, $0x38;
	[tilespmem:$0x11680] =	vst v63  }
.LBB2_21:
0x1e1: {  	s2 =	simm.s32 $0x7  }
0x1e2: {  	_ =	swait.ge [sflag:s2], $0xFA0  }
0x1e3: {  	[sflag:s2] =	ssyncset.done $0x0  }
0x1e4: {  	[sflag:s2] =	ssyncadd.s32 $0xFFFFF060  }
0x1e5: {  	_ =	swait.ge [sflag:s23], $0xFA0  }
0x1e6: {  	[sflag:s23] =	ssyncset.done $0x0  }
0x1e7: {  	[sflag:s23] =	ssyncadd.s32 $0xFFFFF060  }
0x1e8: {  	p0 =	slt.s32 s13, s12;
	_ =	swait.ge [sflag:s24], $0xFA0  }
0x1e9: {  	p1 =	sgt.s32 @!p0 s14, $0x3;
	[sflag:s24] =	ssyncset.done $0x0  }
0x1ea: {  	p0 =	por p0, p1;
	[sflag:s24] =	ssyncadd.s32 $0xFFFFF060  }
.Ltmp16:
0x1eb: {  	_ =	swait.ge [sflag:s25], $0xFA0;
	(pc) =	sbr.rel @p0 .LBB2_25-.Ltmp16, $4  }
0x1ec: {  	[sflag:s25] =	ssyncset.done $0x0  }
0x1ed: {  	[sflag:s25] =	ssyncadd.s32 $0xFFFFF060  }
0x1ee: {  	[bflag:$0x0] =	sbarrier.arrive $0xFFFF  }
0x1ef: {  	v4 =	vor.u32 v3, v4  }
0x1f0: {  	s2 =	simm.s32 $0x0  }
0x1f1: {  	s15 =	simm.s32 $0xC000;
	v5 =	vadd.s32 s2, v4  }
0x1f2: {  	s16 =	simm.s32 $0x10;
	[tilespmem:s15+$0x0] =	vst v5  }
.LBB2_23:
0x1f3: {  	p0 =	sne.s32 s16, $0xC30  }
.Ltmp17:
0x1f4: {  	_ = 	snop;
	(pc) =	sbr.rel @p0 .LBB2_23-.Ltmp17, $3  }
0x1f5: {  	_ =	sdelay $0x1  }
0x1f6: {  	v5 =	vadd.s32 s16, v4;
	s16 =	sadd.s32 $0x10, s16;
	s15 =	sadd.s32 $0x10, s15  }
0x1f7: {  	[tilespmem:s15+$0x0] =	vst v5  }
0x1f8: {  	s2 =	simm.s32 $0xC40;
	s9 =	simm.s32 $0xC000  }
0x1f9: {  	[spmem:s4] =	stream.indirect.scatter.add.f32 [tilespmem:s20], [sflag:$0xB], $0x1, s9, s2, $0xb8;
	[tilespmem:$0x11680] =	vst v63  }
0x1fa: {  	_ =	swait.ge [sflag:s21], $0xC40  }
0x1fb: {  	[sflag:s21] =	ssyncset.done $0x0  }
0x1fc: {  	[sflag:s21] =	ssyncadd.s32 $0xFFFFF3C0  }
.LBB2_25:
0x1fd: {  	p0 =	sle.s32 s13, s12  }
0x1fe: {  	p1 =	sgt.s32 @!p0 s14, $0x3  }
0x1ff: {  	p0 =	por p0, p1  }
.Ltmp18:
0x200: {  	_ = 	snop;
	(pc) =	sbr.rel @p0 .LBB2_29-.Ltmp18, $1  }
0x201: {  	_ =	sdelay $0x3  }
0x202: {  	s2 =	simm.s32 $0xC40  }
0x203: {  	s15 =	simm.s32 $0xC000;
	v5 =	vadd.s32 s2, v4  }
0x204: {  	s16 =	simm.s32 $0xC50;
	[tilespmem:s15+$0x0] =	vst v5  }
.LBB2_27:
0x205: {  	p0 =	sne.s32 s16, $0x1870  }
.Ltmp19:
0x206: {  	_ = 	snop;
	(pc) =	sbr.rel @p0 .LBB2_27-.Ltmp19, $3  }
0x207: {  	_ =	sdelay $0x1  }
0x208: {  	v5 =	vadd.s32 s16, v4;
	s16 =	sadd.s32 $0x10, s16;
	s15 =	sadd.s32 $0x10, s15  }
0x209: {  	[tilespmem:s15+$0x0] =	vst v5  }
0x20a: {  	s2 =	simm.s32 $0xC40;
	s9 =	simm.s32 $0xC000;
	s15 =	simm.s32 $0xD940  }
0x20b: {  	[spmem:s4] =	stream.indirect.scatter.add.f32 [tilespmem:s15], [sflag:$0xB], $0x1, s9, s2, $0xb8;
	[tilespmem:$0x11680] =	vst v63  }
0x20c: {  	_ =	swait.ge [sflag:s21], $0xC40  }
0x20d: {  	[sflag:s21] =	ssyncset.done $0x0  }
0x20e: {  	[sflag:s21] =	ssyncadd.s32 $0xFFFFF3C0  }
.LBB2_29:
0x20f: {  	s2 =	sadd.s32 $0x2, s12  }
0x210: {  	p0 =	sgt.s32 s2, s13  }
0x211: {  	p1 =	sgt.s32 @!p0 s14, $0x3  }
0x212: {  	p0 =	por p0, p1  }
.Ltmp20:
0x213: {  	_ = 	snop;
	(pc) =	sbr.rel @p0 .LBB2_33-.Ltmp20, $1  }
0x214: {  	_ =	sdelay $0x3  }
0x215: {  	s2 =	simm.s32 $0x1880  }
0x216: {  	s15 =	simm.s32 $0xC000;
	v5 =	vadd.s32 s2, v4  }
0x217: {  	s16 =	simm.s32 $0x1890;
	[tilespmem:s15+$0x0] =	vst v5  }
.LBB2_31:
0x218: {  	p0 =	sne.s32 s16, $0x24B0  }
.Ltmp21:
0x219: {  	_ = 	snop;
	(pc) =	sbr.rel @p0 .LBB2_31-.Ltmp21, $3  }
0x21a: {  	_ =	sdelay $0x1  }
0x21b: {  	v5 =	vadd.s32 s16, v4;
	s16 =	sadd.s32 $0x10, s16;
	s15 =	sadd.s32 $0x10, s15  }
0x21c: {  	[tilespmem:s15+$0x0] =	vst v5  }
0x21d: {  	s2 =	simm.s32 $0xC40;
	s9 =	simm.s32 $0xC000;
	s15 =	simm.s32 $0xE580  }
0x21e: {  	[spmem:s4] =	stream.indirect.scatter.add.f32 [tilespmem:s15], [sflag:$0xB], $0x1, s9, s2, $0xb8;
	[tilespmem:$0x11680] =	vst v63  }
0x21f: {  	_ =	swait.ge [sflag:s21], $0xC40  }
0x220: {  	[sflag:s21] =	ssyncset.done $0x0  }
0x221: {  	[sflag:s21] =	ssyncadd.s32 $0xFFFFF3C0  }
.LBB2_33:
0x222: {  	s2 =	sadd.s32 $0x3, s12  }
0x223: {  	p0 =	sgt.s32 s2, s13  }
0x224: {  	p1 =	sgt.s32 @!p0 s14, $0x3  }
0x225: {  	p0 =	por p0, p1  }
.Ltmp22:
0x226: {  	_ = 	snop;
	(pc) =	sbr.rel @p0 .LBB2_37-.Ltmp22, $1  }
0x227: {  	_ =	sdelay $0x3  }
0x228: {  	s2 =	simm.s32 $0x24C0  }
0x229: {  	s12 =	simm.s32 $0xC000;
	v5 =	vadd.s32 s2, v4  }
0x22a: {  	s13 =	simm.s32 $0x24D0;
	[tilespmem:s12+$0x0] =	vst v5  }
.LBB2_35:
0x22b: {  	p0 =	sne.s32 s13, $0x30F0  }
.Ltmp23:
0x22c: {  	_ = 	snop;
	(pc) =	sbr.rel @p0 .LBB2_35-.Ltmp23, $3  }
0x22d: {  	_ =	sdelay $0x1  }
0x22e: {  	v5 =	vadd.s32 s13, v4;
	s13 =	sadd.s32 $0x10, s13;
	s12 =	sadd.s32 $0x10, s12  }
0x22f: {  	[tilespmem:s12+$0x0] =	vst v5  }
0x230: {  	s2 =	simm.s32 $0xC40  }
.Ltmp24:
0x231: {  	s9 =	simm.s32 $0xC000;
	s12 =	simm.s32 $0xF1C0;
	(pc) =	sbr.rel .LBB2_37-.Ltmp24, $4  }
0x232: {  	[spmem:s4] =	stream.indirect.scatter.add.f32 [tilespmem:s12], [sflag:$0xB], $0x1, s9, s2, $0xb8;
	[tilespmem:$0x11680] =	vst v63  }
0x233: {  	_ =	swait.ge [sflag:s21], $0xC40  }
0x234: {  	[sflag:s21] =	ssyncset.done $0x0  }
0x235: {  	[sflag:s21] =	ssyncadd.s32 $0xFFFFF3C0  }
.LBB2_38:
0x236: {  	_ =	sfence.sel $0x180000  }
0x237: {  	[bflag:$0x0] =	sbarrier.arrive $0xFFFF  }
0x238: {  	_ =	strace $0x90000047  }
0x239: {  	s0 =	stileid.u32;
	[bflag:$0x2] =	sbarrier.arrive $0xFFFF  }
0x23a: {  	p0 =	sne.s32 s0, $0x0;
	s0 =	rddreg [dreg:$0x4]  }
0x23b: {  	s0 =	sadd.s32 @!p0 $0x100000, s0  }
0x23c: {  	[sflag:s0] =	ssyncadd.tile.s32 @!p0 $0x1;
	_ =	shalt  }
.Lfunc_end2:
_tile_overlayer_lowered:
.L_overlay_start_2:
0x23d: {  	(tag) =	ssettag $0x2  }
0x23e: {  	s0 =	rddreg [dreg:$0x0];
	s2 =	stileid.u32  }
0x23f: {  	s1 =	rddreg [dreg:$0x1];
	p0 =	sne.s32 s2, $0x0  }
0x240: {  	s3 =	rddreg [dreg:$0x2];
	[bflag:$0x3] =	sbarrier.arrive $0xFFFF;
	s2 =	simm.s32 @!p0 $0x1C0B  }
0x241: {  	[timem:s3], [sflag:s2] =	dma.local @!p0 [hbm:s0], s1  }
0x242: {  	s0 =	simm.s32 @!p0 $0xB  }
0x243: {  	_ =	swait.ge @!p0 [sflag:s0], s1  }
0x244: {  	s1 =	ssub.s32 @!p0 $0x0, s1;
	[sflag:s0] =	ssyncset.done @!p0 $0x0  }
0x245: {  	[sflag:s0] =	ssyncadd.s32 @!p0 s1  }
0x246: {  	[bflag:$0x3] =	sbarrier.arrive $0xFFFF  }
0x247: {  	_ =	shalt  }

// kernel: kernel.7.cloned.1.call-start
scs
__scs_entry_jumppad:
0x0: {  	(pc) =	sbr.rel $0x88, $3  }
0x1: {  	(tag) =	ssettag $0x0;
	lr =	simm.s32 $0x1  }
0x2: {  	[smem:$0x3F9F] =	sst lr;
	_ =	strace $0xD0000000  }
0x3: {  	_ = 	snop  }
0x4: {  	_ = 	snop  }
0x5: {  	_ = 	snop  }
0x6: {  	_ = 	snop  }
0x7: {  	_ = 	snop  }
__scs_overlays_trampoline_lowered:
0x8: {  	[smem:$0x3FAE] =	sst s0  }
0x9: {  	[smem:$0x3FAF] =	sst s1  }
0xa: {  	[smem:$0x3FB0] =	sst s2  }
0xb: {  	[smem:$0x3FB1] =	sst s3  }
0xc: {  	[smem:$0x3FB2] =	sst s4  }
0xd: {  	[smem:$0x3FB3] =	sst s5  }
0xe: {  	[smem:$0x3FB4] =	sst s6  }
0xf: {  	[smem:$0x3FB5] =	sst s7  }
0x10: {  	[smem:$0x3FB6] =	sst s8  }
0x11: {  	[smem:$0x3FB7] =	sst s9;
	s0 =	simm.s32 @!p0 $0x0  }
0x12: {  	s1 =	sld [smem:$0x3F9D];
	s0 =	simm.s32 @p0 $0x1  }
0x13: {  	[smem:$0x3FB8] =	sst s0;
	s0 =	simm.s32 @!p1 $0x0  }
0x14: {  	s2 =	sld [smem:$0x3F9C];
	s0 =	simm.s32 @p1 $0x1  }
0x15: {  	[smem:$0x3FB9] =	sst s0;
	s0 =	simm.s32 @!p2 $0x0  }
0x16: {  	s3 =	sld [smem:$0x3FDB];
	s0 =	simm.s32 @p2 $0x1  }
0x17: {  	s4 =	simm.s32 $0x1BF5;
	[smem:$0x3FBB] =	sst s0  }
0x18: {  	s0 =	sld [smem:$0x3F9E];
	_ =	swait.ge [sflag:s4], $0x0  }
0x19: {  	s7 =	sld [smem:$0x3F9F]  }
0x1a: {  	s8 =	sadd.s32 $0xFFFFE003, lr  }
0x1b: {  	s9 =	sadd.s32 $0xFFFFFEF7, lr;
	s5 =	simm.s32 $0xFFFFFFFF;
	p2 =	slt.u32 s8, $0xFFFFF086  }
0x1c: {  	p1 =	slt.u32 s9, $0xF7A;
	s5 =	simm.s32 @!p2 $0x0  }
0x1d: {  	s5 =	simm.s32 @p1 $0x1;
	p0 =	seq.s32 s7, s2  }
0x1e: {  	s7 =	smul.u32 @!p0 $0xF7A, s2;
	p2 =	seq.s32 @!p0 s5, $0x0  }
0x1f: {  	s9 =	smul.u32 $0xF7A, s1;
	s8 =	simm.s32 @!p0 $0x1BF5;
	p2 =	por !p2, p0  }
0x20: {  	[sflag:s8] =	ssyncset.s32 @!p0 $0xFFFFF086;
	s6 =	sadd.s32 @!p0 s3, s7;
	s7 =	simm.s32 @!p0 $0x108  }
0x21: {  	s3 =	sadd.s32 s3, s9;
	s6 =	sadd.s32 @!p0 $0x88, s6;
	s7 =	simm.s32 @p2 $0x1082  }
0x22: {  	[simem:s7], [sflag:s8] =	dma.local @!p0 [hbm:s6], $0xF7A  }
0x23: {  	s9 =	sor.u32 $0xD0000000, s2;
	s6 =	simm.s32 $0x108;
	_ =	swait.ge @!p0 [sflag:s8], $0x0  }
0x24: {  	s3 =	sadd.s32 $0x88, s3;
	s6 =	simm.s32 @!p1 $0x1082;
	[sflag:s4] =	ssyncset.s32 $0xFFFFF086  }
0x25: {  	[simem:s6], [sflag:s4] =	dma.local [hbm:s3], $0xF7A  }
0x26: {  	[smem:$0x3F9F] =	sst s1;
	(tag) =	ssettag s2;
	_ =	strace s9  }
0x27: {  	s1 =	sld [smem:$0x3FAF]  }
0x28: {  	s2 =	sld [smem:$0x3FB0]  }
0x29: {  	s4 =	sld [smem:$0x3FB2]  }
0x2a: {  	p0 =	seq.s32 s5, $0x0;
	s5 =	sld [smem:$0x3FB3]  }
0x2b: {  	s6 =	sld [smem:$0x3FB4]  }
0x2c: {  	s7 =	sld [smem:$0x3FB5]  }
0x2d: {  	s3 =	simm.s32 $0x108;
	s8 =	sld [smem:$0x3FB6]  }
0x2e: {  	s3 =	simm.s32 @!p0 $0x1082;
	s9 =	sld [smem:$0x3FB7]  }
0x2f: {  	lr =	sadd.s32 s0, s3;
	s0 =	sld [smem:$0x3FAE]  }
0x30: {  	s3 =	sld [smem:$0x3FB1]  }
0x31: {  	[smem:$0x3FBA] =	sst s10  }
0x32: {  	s10 =	sld [smem:$0x3FB8];
	_ =	sdelay $0x3  }
0x33: {  	p0 =	seq.s32 s10, $0x1;
	s10 =	sld [smem:$0x3FBA];
	_ =	sdelay $0x3  }
0x34: {  	[smem:$0x3FBA] =	sst s10  }
0x35: {  	s10 =	sld [smem:$0x3FB9];
	_ =	sdelay $0x3  }
0x36: {  	p1 =	seq.s32 s10, $0x1;
	s10 =	sld [smem:$0x3FBA];
	_ =	sdelay $0x3  }
0x37: {  	[smem:$0x3FBA] =	sst s10  }
0x38: {  	s10 =	sld [smem:$0x3FBB]  }
0x39: {  	_ = 	snop;
	(pc) =	sbr.ind lr, $3  }
0x3a: {  	_ = 	snop  }
0x3b: {  	_ = 	snop  }
0x3c: {  	p2 =	seq.s32 s10, $0x1;
	s10 =	sld [smem:$0x3FBA]  }
0x3d: {  	_ =	shalt  }
0x3e: {  	_ =	shalt  }
0x3f: {  	_ =	shalt  }
0x40: {  	_ =	shalt  }
0x41: {  	_ =	shalt  }
0x42: {  	_ =	shalt  }
0x43: {  	_ =	shalt  }
0x44: {  	_ =	shalt  }
0x45: {  	_ =	shalt  }
0x46: {  	_ =	shalt  }
0x47: {  	_ =	shalt  }
0x48: {  	_ =	shalt  }
0x49: {  	_ =	shalt  }
0x4a: {  	_ =	shalt  }
0x4b: {  	_ =	shalt  }
0x4c: {  	_ =	shalt  }
0x4d: {  	_ =	shalt  }
0x4e: {  	_ =	shalt  }
0x4f: {  	_ =	shalt  }
0x50: {  	_ =	shalt  }
0x51: {  	_ =	shalt  }
0x52: {  	_ =	shalt  }
0x53: {  	_ =	shalt  }
0x54: {  	_ =	shalt  }
0x55: {  	_ =	shalt  }
0x56: {  	_ =	shalt  }
0x57: {  	_ =	shalt  }
0x58: {  	_ =	shalt  }
0x59: {  	_ =	shalt  }
0x5a: {  	_ =	shalt  }
0x5b: {  	_ =	shalt  }
0x5c: {  	_ =	shalt  }
0x5d: {  	_ =	shalt  }
0x5e: {  	_ =	shalt  }
0x5f: {  	_ =	shalt  }
0x60: {  	_ =	shalt  }
0x61: {  	_ =	shalt  }
0x62: {  	_ =	shalt  }
0x63: {  	_ =	shalt  }
0x64: {  	_ =	shalt  }
0x65: {  	_ =	shalt  }
0x66: {  	_ =	shalt  }
0x67: {  	_ =	shalt  }
0x68: {  	_ =	shalt  }
0x69: {  	_ =	shalt  }
0x6a: {  	_ =	shalt  }
0x6b: {  	_ =	shalt  }
0x6c: {  	_ =	shalt  }
0x6d: {  	_ =	shalt  }
0x6e: {  	_ =	shalt  }
0x6f: {  	_ =	shalt  }
0x70: {  	_ =	shalt  }
0x71: {  	_ =	shalt  }
0x72: {  	_ =	shalt  }
0x73: {  	_ =	shalt  }
0x74: {  	_ =	shalt  }
0x75: {  	_ =	shalt  }
0x76: {  	_ =	shalt  }
0x77: {  	_ =	shalt  }
0x78: {  	_ =	shalt  }
0x79: {  	_ =	shalt  }
0x7a: {  	_ =	shalt  }
0x7b: {  	_ =	shalt  }
0x7c: {  	_ =	shalt  }
0x7d: {  	_ =	shalt  }
0x7e: {  	_ =	shalt  }
0x7f: {  	_ =	shalt  }
0x80: {  	_ =	shalt  }
0x81: {  	_ =	shalt  }
0x82: {  	_ =	shalt  }
0x83: {  	_ =	shalt  }
0x84: {  	_ =	shalt  }
0x85: {  	_ =	shalt  }
0x86: {  	_ =	shalt  }
0x87: {  	_ =	shalt  }
.Lfunc_end0:
.L_simem_size_0:
called_computation.1_lowered:
.L_overlay_start_0:
0x88: {  	s2 =	sld [smem:$0x3FD9]  }
0x89: {  	s3 =	sld [smem:$0x3FFE];
	_ =	sdelay $0x1  }
0x8a: {  	s1 =	srdreg.scid  }
0x8b: {  	s0 =	sand.u32 $0x1, s1  }
0x8c: {  	s17 =	sshll.u32 s0, $0xA;
	s2 =	sadd.s32 s3, s2  }
0x8d: {  	s2 =	sadd.s32 s2, s17  }
0x8e: {  	[smem:$0x3FC6] =	sst s2  }
0x8f: {  	_ = 	snop  }
0x90: {  	s2 =	sld [smem:$0x3FD0];
	(tm) =	ssettm $0x1  }
0x91: {  	s18 =	sld [smem:$0x3FFB];
	_ =	sdelay $0x3  }
0x92: {  	_ =	strace s18  }
0x93: {  	s3 =	sld [smem:$0x3FFC];
	_ =	sdelay $0x3  }
0x94: {  	_ =	strace s3  }
0x95: {  	s3 =	sld [smem:$0x3FFD];
	_ =	sdelay $0x3  }
0x96: {  	_ =	strace s3  }
0x97: {  	_ =	strace $0x8FFFFFFF  }
0x98: {  	s19 =	sld [smem:$0x3FDB];
	_ =	sdelay $0x1  }
0x99: {  	s4 =	simm.s32 $_scs_section_size  }
0x9a: {  	s5 =	simm.s32 $_size__tile_overlayer_lowered;
	s6 =	simm.s32 $_tile_overlayer_lowered  }
0x9b: {  	s22 =	simm.s32 $0x1BFF;
	s21 =	sshll.u32 s6, $0x1;
	s3 =	sadd.s32 s4, s19  }
0x9c: {  	s7 =	simm.s32 $0x0;
	s20 =	sshll.u32 s5, $0x1;
	s5 =	sadd.s32 s21, s3  }
0x9d: {  	[timem:s7], [sflag:s22] =	dma.local [hbm:s5], s20  }
0x9e: {  	_ =	swait.ge [sflag:s22], s20  }
0x9f: {  	s4 =	ssub.s32 $0x0, s20;
	[sflag:s22] =	ssyncset.done $0x0  }
0xa0: {  	[sflag:s22] =	ssyncadd.s32 s4;
	_ =	sdelay $0x1  }
0xa1: {  	s23 =	simm.s32 $0x1B8B  }
0xa2: {  	_ =	swait.ge [sflag:s23], $0x1  }
0xa3: {  	[sflag:s23] =	ssyncset.done $0x0  }
0xa4: {  	s25 =	simm.s32 $0x1B8E;
	s24 =	sld [smem:$0x3FFE];
	[sflag:s23] =	ssyncadd.s32 $0xFFFFFFFF  }
0xa5: {  	s26 =	simm.s32 $execute0_lowered;
	[smem:$0x3FD2] =	sst s25  }
0xa6: {  	s5 =	sshll.u32 s26, $0x1;
	_ =	strace $0x80000049;
	[dreg:$0x1] =	wrdreg $0xFFFFFFFF  }
0xa7: {  	s28 =	simm.s32 $_size_execute0_lowered;
	s3 =	sadd.s32 s3, s5;
	[dreg:$0x0] =	wrdreg $0x0  }
0xa8: {  	s5 =	sshll.u32 s28, $0x1;
	[dreg:$0x2] =	wrdreg s3  }
0xa9: {  	[dreg:$0x3] =	wrdreg s5  }
0xaa: {  	[dreg:$0x4] =	wrdreg $0xC0  }
0xab: {  	_ =	task [dreg:s7], $0x5FFFF  }
0xac: {  	[dreg:$0x1] =	wrdreg $0xFFFFFFFF  }
0xad: {  	[dreg:$0x0] =	wrdreg $0x60  }
0xae: {  	[dreg:$0x2] =	wrdreg s24  }
0xaf: {  	[dreg:$0x3] =	wrdreg s2  }
0xb0: {  	[dreg:$0x4] =	wrdreg $0x9  }
0xb1: {  	_ =	task.clear_ibuf [dreg:s7], $0x5FFFF;
	_ =	strace $0x90000049  }
0xb2: {  	s29 =	simm.s32 $0x9;
	_ =	strace $0x8000004B  }
0xb3: {  	_ =	swait.ge [sflag:s29], $0x1  }
0xb4: {  	[sflag:s29] =	ssyncadd.s32 $0xFFFFFFFF  }
0xb5: {  	_ =	strace $0x9000004B  }
0xb6: {  	_ =	sfence  }
0xb7: {  	s30 =	sld [smem:$0x0];
	_ =	sdelay $0x2  }
0xb8: {  	s31 =	sshll.u32 s1, $0xD;
	s1 =	sshrl.u32 s1, $0x2  }
0xb9: {  	s3 =	sand.u32 $0x4000, s31;
	s1 =	sadd.s32 s1, s30  }
0xba: {  	s0 =	sor.u32 s3, s0;
	s1 =	sshll.u32 s1, $0x11  }
0xbb: {  	s0 =	sor.u32 s1, s0  }
0xbc: {  	s0 =	sadd.s32 $0x8F2B, s0  }
0xbd: {  	[sflag:s0] =	ssyncadd.remote.s32 $0x1  }
0xbe: {  	_ =	sfence.sel $0xFFFF  }
0xbf: {  	[dreg:$0x0] =	wrdreg $0xFFFFFFFF;
	(pc) =	sbr.abs _section_cstart, $3  }
0xc0: {  	[dreg:$0x1] =	wrdreg $0xFFFFFFFF  }
0xc1: {  	_ =	task.clear_ibuf [dreg:s7], $0x2FFFF;
	_ =	strace $0x9FFFFFFF  }
0xc2: {  	(tm) =	ssettm $0x7FFFFFFF  }
0xc3: {  	_ =	shalt  }
tec
execute0_lowered:
.L_overlay_start_1:
0x0: {  	(tag) =	ssettag $0x1  }
0x1: {  	s0 =	srdreg.scid  }
0x2: {  	s4 =	rddreg [dreg:$0x0];
	s3 =	sand.u32 $0x1, s0  }
0x3: {  	s5 =	rddreg [dreg:$0x1];
	s0 =	stileid.u32;
	s1 =	sshll.u32 s3, $0x4  }
0x4: {  	s2 =	simm.s32 $0x0;
	s8 =	simm.s32 $0xC80;
	s1 =	sor.u32 s0, s1  }
0x5: {  	[smem:$0x7FF] =	sst s2;
	s3 =	ssub.s32 $0x2, s3;
	s6 =	smul.u32 $0xC40, s1  }
0x6: {  	s9 =	simm.s32 $0x0;
	s7 =	sshrl.u32 s3, $0x1;
	s1 =	rddreg [dreg:$0x2]  }
0x7: {  	_ =	strace $0x8000004A;
	s7 =	ssub.s32 s3, s7;
	s6 =	sshrl.u32 s6, $0x3  }
0x8: {  	s4 =	sadd.s32 s6, s4;
	s5 =	sadd.s32 s5, s6;
	s6 =	smax.u32 s7, $0x1  }
0x9: {  	s7 =	simm.s32 $0x1;
	s3 =	sadd.s32 $0x800, s4;
	s4 =	sadd.s32 $0x3900, s4  }
.LBB2_1:
0xa: {  	[tilespmem:s2], [sflag:$0x1] =	stream.linear.gather [hbm4b:s3+s2], $0xC40, $0x38;
	[tilespmem:$0x1900] =	vst v63  }
0xb: {  	_ =	swait.ge [sflag:s7], $0xC40  }
0xc: {  	[sflag:s7] =	ssyncset.done $0x0  }
0xd: {  	[sflag:s7] =	ssyncadd.s32 $0xFFFFF3C0  }
0xe: {  	[tilespmem:s8], [sflag:$0x1] =	stream.linear.gather [hbm4b:s4+s2], $0xC40, $0x38;
	[tilespmem:$0x1900] =	vst v63  }
0xf: {  	_ =	swait.ge [sflag:s7], $0xC40  }
0x10: {  	[sflag:s7] =	ssyncset.done $0x0  }
0x11: {  	s10 =	simm.s32 $0x0;
	[sflag:s7] =	ssyncadd.s32 $0xFFFFF3C0  }
0x12: {  	s11 =	simm.s32 $0x40;
	v0 =	vld [tilespmem:s10+$0xC80]  }
.LBB2_2:
0x13: {  	p0 =	sne.s32 s11, $0x30C0;
	v1 =	vld [tilespmem:s10+$0x0];
	_ =	sdelay $0x2  }
.Ltmp0:
0x14: {  	(pc) =	sbr.rel @p0 .LBB2_2-.Ltmp0, $4  }
0x15: {  	_ = 	snop  }
0x16: {  	v1 =	vadd.f32 v0, v1  }
0x17: {  	s12 =	sshra.s32 s11, $0x2  }
0x18: {  	s11 =	sadd.s32 $0x40, s11;
	v0 =	vld [tilespmem:s12+$0xC80];
	[tilespmem:s10+$0x0] =	vst v1;
	s10 =	smov.u32 s12  }
0x19: {  	v1 =	vld [tilespmem:s10+$0x0];
	_ =	sdelay $0x4  }
0x1a: {  	s9 =	sadd.s32 $0x1, s9;
	v0 =	vadd.f32 v0, v1  }
0x1b: {  	p0 =	sne.s32 s9, s6  }
.Ltmp1:
0x1c: {  	[tilespmem:s10+$0x0] =	vst v0;
	(pc) =	sbr.rel @p0 .LBB2_1-.Ltmp1, $4  }
0x1d: {  	[hbm4b:s5+s2] =	stream.linear.scatter [tilespmem:s2], [sflag:$0x1], $0xC40, $0x38;
	[tilespmem:$0x1900] =	vst v63  }
0x1e: {  	_ =	swait.ge [sflag:s7], $0xC40  }
0x1f: {  	[sflag:s7] =	ssyncset.done $0x0  }
0x20: {  	[sflag:s7] =	ssyncadd.s32 $0xFFFFF3C0  }
0x21: {  	_ =	sfence.sel $0x180000  }
0x22: {  	[bflag:$0x0] =	sbarrier.arrive $0xFFFF  }
0x23: {  	p0 =	sne.s32 s0, $0x0;
	_ =	strace $0x9000004A  }
0x24: {  	s0 =	sadd.s32 @!p0 $0x100000, s1;
	[bflag:$0x2] =	sbarrier.arrive $0xFFFF  }
0x25: {  	[sflag:s0] =	ssyncadd.tile.s32 @!p0 $0x1;
	_ =	shalt  }
.Lfunc_end2:
_tile_overlayer_lowered:
.L_overlay_start_2:
0x26: {  	(tag) =	ssettag $0x2  }
0x27: {  	s0 =	rddreg [dreg:$0x0];
	s2 =	stileid.u32  }
0x28: {  	s1 =	rddreg [dreg:$0x1];
	p0 =	sne.s32 s2, $0x0  }
0x29: {  	s3 =	rddreg [dreg:$0x2];
	[bflag:$0x3] =	sbarrier.arrive $0xFFFF;
	s2 =	simm.s32 @!p0 $0x1C01  }
0x2a: {  	[timem:s3], [sflag:s2] =	dma.local @!p0 [hbm:s0], s1  }
0x2b: {  	s0 =	simm.s32 @!p0 $0x1  }
0x2c: {  	_ =	swait.ge @!p0 [sflag:s0], s1  }
0x2d: {  	s1 =	ssub.s32 @!p0 $0x0, s1;
	[sflag:s0] =	ssyncset.done @!p0 $0x0  }
0x2e: {  	[sflag:s0] =	ssyncadd.s32 @!p0 s1  }
0x2f: {  	[bflag:$0x3] =	sbarrier.arrive $0xFFFF  }
0x30: {  	_ =	shalt  }

</sc_bundles>
